<compile_context>
chip_gen: v7x
topology: tpu7x:2x2x1
jax: 0.10.2.dev20260603
libtpu: 0.0.44.dev20260713+nightly
codegen_flags: <defaults>
</compile_context>

<pallas_src>
import functools

import jax
import jax.numpy as jnp
from jax import lax
from jax.experimental import pallas as pl
from jax.experimental.pallas import tpu as pltpu
from jax.experimental.pallas import tpu_sc as plsc

LANES = 16


def _sc_gather_body(n_dim, c_dim, l_dim, paths_per_w, h_dim, n_edges,
                    table_hbm, paths_hbm, base_hbm, out_hbm,
                    nodes_v, idx_v, base_v, rows_v, acc_v,
                    sem2, sg0, sg1):
    wid = lax.axis_index("s") * 2 + lax.axis_index("c")
    nodes_per_w = paths_per_w * l_dim
    rows_per_w = nodes_per_w

    cp_n = pltpu.async_copy(paths_hbm.at[pl.ds(wid * nodes_per_w, nodes_per_w)],
                            nodes_v.at[pl.ds(0, nodes_per_w)], sem2)
    cp_b = pltpu.async_copy(base_hbm.at[wid], base_v, sem2)
    cp_n.wait()
    cp_b.wait()
    nodes_v[pl.ds(nodes_per_w, LANES)] = jnp.zeros((LANES,), jnp.int32)
    base_vec = base_v[...]

    n_chunks = nodes_per_w // LANES

    def idx_body(t, carry):
        uu = nodes_v[pl.ds(t * LANES, LANES)]
        vv = nodes_v[pl.ds(t * LANES + 1, LANES)]
        idx_v[pl.ds(t * LANES, LANES)] = (uu * n_dim + vv) * c_dim + base_vec
        return carry

    lax.fori_loop(0, n_chunks, idx_body, 0)

    q = rows_per_w // 2
    pq = paths_per_w // 2
    gsems = (sg0, sg1)
    cps = [pltpu.async_copy(table_hbm.at[idx_v.at[pl.ds(i * q, q)]],
                            rows_v.at[pl.ds(i * q, q)], gsems[i])
           for i in range(2)]

    inv = 1.0 / float(n_edges)
    col_chunks = h_dim // LANES

    for i in range(2):
        cps[i].wait()

        @plsc.parallel_loop(i * pq * col_chunks, (i + 1) * pq * col_chunks,
                            1, unroll=4)
        def pool_body(t):
            j = t >> 4
            k = t & (col_chunks - 1)
            r0 = j * l_dim
            cs = pl.ds(k * LANES, LANES)
            acc = rows_v[r0, cs]
            for e in range(1, n_edges):
                acc = acc + rows_v[r0 + e, cs]
            acc_v[j, cs] = acc * inv

    pltpu.sync_copy(acc_v, out_hbm.at[pl.ds(wid * paths_per_w, paths_per_w)])


def _sc_gather(table, paths_flat, base_rows, n_dim, c_dim, l_dim, n_edges):
    n_paths = paths_flat.shape[0] // l_dim
    h_dim = table.shape[1]
    nw = 32
    paths_per_w = n_paths // nw
    rows_per_w = paths_per_w * l_dim

    mesh = plsc.VectorSubcoreMesh(core_axis_name="c", subcore_axis_name="s")
    body = functools.partial(_sc_gather_body, n_dim, c_dim, l_dim,
                             paths_per_w, h_dim, n_edges)
    f = pl.kernel(
        body,
        mesh=mesh,
        out_type=jax.ShapeDtypeStruct((n_paths, h_dim), jnp.float32),
        scratch_types=[
            pltpu.VMEM((rows_per_w + LANES,), jnp.int32),
            pltpu.VMEM((rows_per_w,), jnp.int32),
            pltpu.VMEM((LANES,), jnp.int32),
            pltpu.VMEM((rows_per_w, h_dim), jnp.float32),
            pltpu.VMEM((paths_per_w, h_dim), jnp.float32),
            pltpu.SemaphoreType.DMA,
            pltpu.SemaphoreType.DMA,
            pltpu.SemaphoreType.DMA,
        ],
    )
    return f(table, paths_flat, base_rows)


def _tc_mlp_body(b_dim, p_dim, pf_ref, g_ref, w1_ref, b1_ref,
                 w2_ref, b2_ref, mask_ref, probs_ref, logp_ref, ent_ref):
    h_dim = g_ref.shape[1]
    pf = pf_ref[...]
    w1a = w1_ref[0:h_dim, :]
    w1b = w1_ref[h_dim:2 * h_dim, :]
    h1 = jnp.dot(pf, w1a, preferred_element_type=jnp.float32)
    hg = jnp.dot(g_ref[...], w1b, preferred_element_type=jnp.float32)
    h = h1.reshape(b_dim, p_dim, -1) + hg[:, None, :] + b1_ref[...][None, None, :]
    h = jnp.maximum(h, 0.0)
    s = jnp.dot(h.reshape(b_dim * p_dim, -1), w2_ref[...],
                preferred_element_type=jnp.float32)
    s = s.reshape(b_dim, p_dim) + b2_ref[...]
    m = mask_ref[...] > 0.0
    s = jnp.where(m, s, -jnp.inf)
    mx = jnp.max(s, axis=1, keepdims=True)
    e = jnp.exp(s - mx)
    denom = jnp.sum(e, axis=1, keepdims=True)
    probs = e / denom
    logp = s - mx - jnp.log(denom)
    probs_ref[...] = probs
    logp_ref[...] = logp
    ent_ref[...] = -jnp.sum(probs * jnp.where(m, logp, 0.0), axis=1)


def _tc_mlp(path_feat, g, w1, b1, w2, b2, mask_f):
    b_dim, p_dim = mask_f.shape
    body = functools.partial(_tc_mlp_body, b_dim, p_dim)
    return pl.pallas_call(
        body,
        out_shape=[
            jax.ShapeDtypeStruct((b_dim, p_dim), jnp.float32),
            jax.ShapeDtypeStruct((b_dim, p_dim), jnp.float32),
            jax.ShapeDtypeStruct((b_dim,), jnp.float32),
        ],
    )(path_feat, g, w1, b1, w2, b2, mask_f)


def kernel(edge_features, graph_embedding, selected_commodity, candidate_paths,
           path_mask, W1, b1, W2, b2):
    B, N, _, C, H = edge_features.shape
    P, L = candidate_paths.shape[1], candidate_paths.shape[2]
    n_edges = L - 1

    table = edge_features.reshape(B * N * N * C, H)
    paths_flat = candidate_paths.reshape(-1)
    base = (jnp.arange(32, dtype=jnp.int32) // 2) * (N * N * C) \
        + selected_commodity.astype(jnp.int32)[jnp.arange(32) // 2]
    base_rows = jnp.broadcast_to(base[:, None], (32, LANES))

    path_feat = _sc_gather(table, paths_flat, base_rows, N, C, L, n_edges)
    probs, logp, ent = _tc_mlp(path_feat, graph_embedding, W1, b1, W2, b2,
                               path_mask.astype(jnp.float32))
    return probs, logp, ent

# --- scband reference (transcript-rebuilt; emitter-appended) ---
"""Pipeline reference for scband-path-selector-32366873542911 (READ-ONLY COPY).

The authoritative reference and input builder live on the scoring server;
editing this copy changes nothing except your own understanding.
"""

import jax, jax.numpy as jnp
import numpy as np

B, N, C, H, P, L = 16, 32, 8, 256, 64, 8


def setup_inputs(seed: int = 0) -> dict:
    key = jax.random.key(seed)
    ks = jax.random.split(key, 8)
    edge_features = jax.random.normal(ks[0], (B, N, N, C, H), dtype=jnp.float32)
    graph_embedding = jax.random.normal(ks[1], (B, H), dtype=jnp.float32)
    selected_commodity = jax.random.randint(ks[2], (B,), 0, C, dtype=jnp.int64 if jax.config.jax_enable_x64 else jnp.int32)
    candidate_paths = jax.random.randint(ks[3], (B, P, L), 0, N, dtype=jnp.int64 if jax.config.jax_enable_x64 else jnp.int32)
    path_mask = jnp.ones((B, P), dtype=bool)
    W1 = jax.random.normal(ks[4], (2 * H, 128), dtype=jnp.float32) * (1.0 / np.sqrt(2 * H))
    b1 = jnp.zeros((128,), dtype=jnp.float32)
    W2 = jax.random.normal(ks[5], (128, 1), dtype=jnp.float32) * (1.0 / np.sqrt(128))
    b2 = jnp.zeros((1,), dtype=jnp.float32)
    return {
        "edge_features": edge_features,
        "graph_embedding": graph_embedding,
        "selected_commodity": selected_commodity,
        "candidate_paths": candidate_paths,
        "path_mask": path_mask,
        "W1": W1, "b1": b1, "W2": W2, "b2": b2,
    }


def reference(edge_features, graph_embedding, selected_commodity, candidate_paths, path_mask, W1, b1, W2, b2):
    Bv, Pv = candidate_paths.shape[0], candidate_paths.shape[1]
    # path edges: (u, v) pairs along each path
    u = candidate_paths[:, :, :-1]  # [B, P, L-1]
    v = candidate_paths[:, :, 1:]   # [B, P, L-1]
    b_idx = jnp.arange(Bv)[:, None, None]              # [B,1,1]
    c_idx = selected_commodity[:, None, None]          # [B,1,1]
    # gather edge_features[b, u, v, c, :] -> [B, P, L-1, H]
    edge_feats = edge_features[b_idx, u, v, c_idx, :]
    # mean-pool over edges of the path -> [B, P, H]
    path_feat = edge_feats.mean(axis=2)
    g = jnp.broadcast_to(graph_embedding[:, None, :], path_feat.shape)
    inp = jnp.concatenate([path_feat, g], axis=-1)     # [B, P, 2H]
    h = jax.nn.relu(inp @ W1 + b1)
    scores = (h @ W2 + b2)[..., 0]                     # [B, P]
    scores = jnp.where(path_mask, scores, -jnp.inf)
    action_probs = jax.nn.softmax(scores, axis=-1)
    log_probs = jax.nn.log_softmax(scores, axis=-1)
    log_probs_safe = jnp.where(path_mask, log_probs, jnp.zeros_like(log_probs))
    entropy = -(action_probs * log_probs_safe).sum(axis=-1)
    return (action_probs, log_probs, entropy)

if __name__ == "__main__":
    import jax
    _d = setup_inputs()
    print(jax.jit(kernel)(*tuple(_d.values())))

</pallas_src>

<mosaic_0001>
#map = affine_map<(d0, d1) -> (0, 0)>
#map1 = affine_map<(d0, d1) -> (0)>
module attributes {stable_mosaic.version = 14 : i64} {
  func.func @_sc_gather_body(%arg0: i32, %arg1: i32, %arg2: memref<131072x256xf32, #tpu.memory_space<hbm>>, %arg3: memref<8192xi32, #tpu.memory_space<hbm>>, %arg4: memref<32x16xi32, #tpu.memory_space<hbm>>, %arg5: memref<1024x256xf32, #tpu.memory_space<hbm>>, %arg6: memref<272xi32, #tpu.memory_space<vmem>>, %arg7: memref<256xi32, #tpu.memory_space<vmem>>, %arg8: memref<16xi32, #tpu.memory_space<vmem>>, %arg9: memref<256x256xf32, #tpu.memory_space<vmem>>, %arg10: memref<32x256xf32, #tpu.memory_space<vmem>>, %arg11: memref<!tpu.dma_semaphore, #tpu.memory_space<semaphore_mem>>, %arg12: memref<!tpu.dma_semaphore, #tpu.memory_space<semaphore_mem>>, %arg13: memref<!tpu.dma_semaphore, #tpu.memory_space<semaphore_mem>>) attributes {dimension_semantics = [#tpu.dimension_semantics<core_parallel>, #tpu.dimension_semantics<subcore_parallel>], iteration_bounds = array<i64: 2, 16>, scalar_prefetch = 0 : i64, scratch_operands = 8 : i64, tpu.core_type = #tpu.core_type<sc_vector_subcore>, window_params = [{transform_indices = #map}, {transform_indices = #map1}, {transform_indices = #map}, {transform_indices = #map}]} {
    %mul3A = arith.constant 2 : i32
    %mul3A_0 = arith.muli %arg1, %mul3A : i32
    %add3A = arith.addi %mul3A_0, %arg0 : i32
    %mul3A_1 = arith.constant 256 : i32
    %mul3A_2 = arith.muli %add3A, %mul3A_1 : i32
    %dma_start3A = arith.constant 0 : i32
    %dma_start3A_3 = tpu.memref_slice %arg6[%dma_start3A] : memref<272xi32, #tpu.memory_space<vmem>> -> memref<256xi32, #tpu.memory_space<vmem>>
    %dma_start3A_4 = tpu.memref_slice %arg3[%mul3A_2] : memref<8192xi32, #tpu.memory_space<hbm>> -> memref<256xi32, #tpu.memory_space<hbm>>
    %dma_start3A_5 = arith.constant 0 : i32
    %dma_start3A_6 = tpu.memref_slice %arg6[%dma_start3A_5] : memref<272xi32, #tpu.memory_space<vmem>> -> memref<256xi32, #tpu.memory_space<vmem>>
    %dma_start3A_7 = tpu.memref_slice %arg3[%mul3A_2] : memref<8192xi32, #tpu.memory_space<hbm>> -> memref<256xi32, #tpu.memory_space<hbm>>
    tpu.enqueue_dma source(%dma_start3A_7 : memref<256xi32, #tpu.memory_space<hbm>>) target(%dma_start3A_6 : memref<256xi32, #tpu.memory_space<vmem>>) target_semaphore(%arg11 : memref<!tpu.dma_semaphore, #tpu.memory_space<semaphore_mem>>)
    %dma_start3A_8 = arith.constant 0 : i32
    %dma_start3A_9 = tpu.memref_slice %arg4[%add3A, %dma_start3A_8] : memref<32x16xi32, #tpu.memory_space<hbm>> -> memref<1x16xi32, #tpu.memory_space<hbm>>
    %dma_start3A_10 = tpu.memref_squeeze %dma_start3A_9 : memref<1x16xi32, #tpu.memory_space<hbm>> -> memref<16xi32, #tpu.memory_space<hbm>>
    %dma_start3A_11 = arith.constant 0 : i32
    %dma_start3A_12 = tpu.memref_slice %arg4[%add3A, %dma_start3A_11] : memref<32x16xi32, #tpu.memory_space<hbm>> -> memref<1x16xi32, #tpu.memory_space<hbm>>
    %dma_start3A_13 = tpu.memref_squeeze %dma_start3A_12 : memref<1x16xi32, #tpu.memory_space<hbm>> -> memref<16xi32, #tpu.memory_space<hbm>>
    tpu.enqueue_dma source(%dma_start3A_13 : memref<16xi32, #tpu.memory_space<hbm>>) target(%arg8 : memref<16xi32, #tpu.memory_space<vmem>>) target_semaphore(%arg11 : memref<!tpu.dma_semaphore, #tpu.memory_space<semaphore_mem>>)
    %dma_wait3A = arith.constant 0 : i32
    %dma_wait3A_14 = tpu.memref_slice %arg6[%dma_wait3A] : memref<272xi32, #tpu.memory_space<vmem>> -> memref<256xi32, #tpu.memory_space<vmem>>
    %dma_wait3A_15 = tpu.memref_slice %arg3[%mul3A_2] : memref<8192xi32, #tpu.memory_space<hbm>> -> memref<256xi32, #tpu.memory_space<hbm>>
    %dma_wait3A_16 = arith.constant 0 : i32
    %dma_wait3A_17 = tpu.memref_slice %arg6[%dma_wait3A_16] : memref<272xi32, #tpu.memory_space<vmem>> -> memref<256xi32, #tpu.memory_space<vmem>>
    %dma_wait3A_18 = tpu.memref_slice %arg3[%mul3A_2] : memref<8192xi32, #tpu.memory_space<hbm>> -> memref<256xi32, #tpu.memory_space<hbm>>
    tpu.wait_dma2 semaphore(%arg11 : memref<!tpu.dma_semaphore, #tpu.memory_space<semaphore_mem>>) src(%dma_wait3A_18 : memref<256xi32, #tpu.memory_space<hbm>>) dst(%dma_wait3A_17 : memref<256xi32, #tpu.memory_space<vmem>>)
    %dma_wait3A_19 = arith.constant 0 : i32
    %dma_wait3A_20 = tpu.memref_slice %arg4[%add3A, %dma_wait3A_19] : memref<32x16xi32, #tpu.memory_space<hbm>> -> memref<1x16xi32, #tpu.memory_space<hbm>>
    %dma_wait3A_21 = tpu.memref_squeeze %dma_wait3A_20 : memref<1x16xi32, #tpu.memory_space<hbm>> -> memref<16xi32, #tpu.memory_space<hbm>>
    %dma_wait3A_22 = arith.constant 0 : i32
    %dma_wait3A_23 = tpu.memref_slice %arg4[%add3A, %dma_wait3A_22] : memref<32x16xi32, #tpu.memory_space<hbm>> -> memref<1x16xi32, #tpu.memory_space<hbm>>
    %dma_wait3A_24 = tpu.memref_squeeze %dma_wait3A_23 : memref<1x16xi32, #tpu.memory_space<hbm>> -> memref<16xi32, #tpu.memory_space<hbm>>
    tpu.wait_dma2 semaphore(%arg11 : memref<!tpu.dma_semaphore, #tpu.memory_space<semaphore_mem>>) src(%dma_wait3A_24 : memref<16xi32, #tpu.memory_space<hbm>>) dst(%arg8 : memref<16xi32, #tpu.memory_space<vmem>>)
    %broadcast_in_dim3A = arith.constant 0 : i32
    %broadcast_in_dim3A_25 = vector.broadcast %broadcast_in_dim3A : i32 to vector<16xi32>
    %swap3A = arith.constant 256 : index
    %swap3A_26 = tpu.vector_load %arg6[%swap3A] {strides = array<i32>} : memref<272xi32, #tpu.memory_space<vmem>>, vector<16xi32>,
    %swap3A_27 = vector.shape_cast %swap3A_26 : vector<16xi32> to vector<16xi32>
    %swap3A_28 = vector.shape_cast %broadcast_in_dim3A_25 : vector<16xi32> to vector<16xi32>
    tpu.vector_store %arg6[%swap3A], %swap3A_28 {strides = array<i32>} : memref<272xi32, #tpu.memory_space<vmem>>, vector<16xi32>,
    %get3A = arith.constant 0 : index
    %get3A_29 = tpu.vector_load %arg8[%get3A] {strides = array<i32>} : memref<16xi32, #tpu.memory_space<vmem>>, vector<16xi32>,
    %get3A_30 = vector.shape_cast %get3A_29 : vector<16xi32> to vector<16xi32>
    %scan3A = arith.constant 0 : i32
    %scan3A_31 = arith.constant 0 : i32
    %scan3A_32 = arith.constant 16 : i32
    %scan3A_33 = arith.addi %scan3A_31, %scan3A_32 : i32
    %scan3A_34 = arith.constant 1 : i32
    scf.for %scan3A_75 = %scan3A_31 to %scan3A_33 step %scan3A_34  : i32 {
      %mul3A_76 = arith.constant 16 : i32
      %mul3A_77 = arith.muli %scan3A_75, %mul3A_76 : i32
      %get3A_78 = arith.index_cast %mul3A_77 : i32 to index
      %get3A_79 = tpu.vector_load %arg6[%get3A_78] {strides = array<i32>} : memref<272xi32, #tpu.memory_space<vmem>>, vector<16xi32>,
      %get3A_80 = vector.shape_cast %get3A_79 : vector<16xi32> to vector<16xi32>
      %mul3A_81 = arith.constant 16 : i32
      %mul3A_82 = arith.muli %scan3A_75, %mul3A_81 : i32
      %add3A_83 = arith.constant 1 : i32
      %add3A_84 = arith.addi %mul3A_82, %add3A_83 : i32
      %get3A_85 = arith.index_cast %add3A_84 : i32 to index
      %get3A_86 = tpu.vector_load %arg6[%get3A_85] {strides = array<i32>} : memref<272xi32, #tpu.memory_space<vmem>>, vector<16xi32>,
      %get3A_87 = vector.shape_cast %get3A_86 : vector<16xi32> to vector<16xi32>
      %mul3A_88 = arith.constant 32 : i32
      %mul3A_89 = vector.broadcast %mul3A_88 : i32 to vector<16xi32>
      %mul3A_90 = arith.muli %get3A_80, %mul3A_89 : vector<16xi32>
      %add3A_91 = arith.addi %mul3A_90, %get3A_87 : vector<16xi32>
      %mul3A_92 = arith.constant 8 : i32
      %mul3A_93 = vector.broadcast %mul3A_92 : i32 to vector<16xi32>
      %mul3A_94 = arith.muli %add3A_91, %mul3A_93 : vector<16xi32>
      %add3A_95 = arith.addi %mul3A_94, %get3A_30 : vector<16xi32>
      %mul3A_96 = arith.constant 16 : i32
      %mul3A_97 = arith.muli %scan3A_75, %mul3A_96 : i32
      %swap3A_98 = arith.index_cast %mul3A_97 : i32 to index
      %swap3A_99 = tpu.vector_load %arg7[%swap3A_98] {strides = array<i32>} : memref<256xi32, #tpu.memory_space<vmem>>, vector<16xi32>,
      %swap3A_100 = vector.shape_cast %swap3A_99 : vector<16xi32> to vector<16xi32>
      %swap3A_101 = vector.shape_cast %add3A_95 : vector<16xi32> to vector<16xi32>
      tpu.vector_store %arg7[%swap3A_98], %swap3A_101 {strides = array<i32>} : memref<256xi32, #tpu.memory_space<vmem>>, vector<16xi32>,
    }
    %scan3A_35 = arith.constant 16 : i32
    %dma_start3A_36 = arith.constant 0 : i32
    %dma_start3A_37 = arith.constant 0 : i32
    %dma_start3A_38 = tpu.memref_slice %arg9[%dma_start3A_36, %dma_start3A_37] : memref<256x256xf32, #tpu.memory_space<vmem>> -> memref<128x256xf32, #tpu.memory_space<vmem>>
    %dma_start3A_39 = arith.constant 0 : i32
    %dma_start3A_40 = tpu.memref_slice %arg7[%dma_start3A_39] : memref<256xi32, #tpu.memory_space<vmem>> -> memref<128xi32, #tpu.memory_space<vmem>>
    %dma_start3A_41 = arith.constant 0 : i32
    %dma_start3A_42 = arith.constant 0 : i32
    %dma_start3A_43 = tpu.memref_slice %arg2[%dma_start3A_41, %dma_start3A_42] : memref<131072x256xf32, #tpu.memory_space<hbm>> -> memref<131072x256xf32, #tpu.memory_space<hbm>>
    tpu.enqueue_indirect_dma source(%dma_start3A_43 : memref<131072x256xf32, #tpu.memory_space<hbm>>) target(%dma_start3A_38 : memref<128x256xf32, #tpu.memory_space<vmem>>) offsets(%dma_start3A_40 : memref<128xi32, #tpu.memory_space<vmem>>) semaphore(%arg12 : memref<!tpu.dma_semaphore, #tpu.memory_space<semaphore_mem>>)
    %dma_start3A_44 = arith.constant 128 : i32
    %dma_start3A_45 = arith.constant 0 : i32
    %dma_start3A_46 = tpu.memref_slice %arg9[%dma_start3A_44, %dma_start3A_45] : memref<256x256xf32, #tpu.memory_space<vmem>> -> memref<128x256xf32, #tpu.memory_space<vmem>>
    %dma_start3A_47 = arith.constant 128 : i32
    %dma_start3A_48 = tpu.memref_slice %arg7[%dma_start3A_47] : memref<256xi32, #tpu.memory_space<vmem>> -> memref<128xi32, #tpu.memory_space<vmem>>
    %dma_start3A_49 = arith.constant 0 : i32
    %dma_start3A_50 = arith.constant 0 : i32
    %dma_start3A_51 = tpu.memref_slice %arg2[%dma_start3A_49, %dma_start3A_50] : memref<131072x256xf32, #tpu.memory_space<hbm>> -> memref<131072x256xf32, #tpu.memory_space<hbm>>
    tpu.enqueue_indirect_dma source(%dma_start3A_51 : memref<131072x256xf32, #tpu.memory_space<hbm>>) target(%dma_start3A_46 : memref<128x256xf32, #tpu.memory_space<vmem>>) offsets(%dma_start3A_48 : memref<128xi32, #tpu.memory_space<vmem>>) semaphore(%arg13 : memref<!tpu.dma_semaphore, #tpu.memory_space<semaphore_mem>>)
    %dma_wait3A_52 = arith.constant 0 : i32
    %dma_wait3A_53 = arith.constant 0 : i32
    %dma_wait3A_54 = tpu.memref_slice %arg9[%dma_wait3A_52, %dma_wait3A_53] : memref<256x256xf32, #tpu.memory_space<vmem>> -> memref<128x256xf32, #tpu.memory_space<vmem>>
    %dma_wait3A_55 = arith.constant 0 : i32
    %dma_wait3A_56 = tpu.memref_slice %arg7[%dma_wait3A_55] : memref<256xi32, #tpu.memory_space<vmem>> -> memref<128xi32, #tpu.memory_space<vmem>>
    %dma_wait3A_57 = arith.constant 0 : i32
    %dma_wait3A_58 = arith.constant 0 : i32
    %dma_wait3A_59 = tpu.memref_slice %arg2[%dma_wait3A_57, %dma_wait3A_58] : memref<131072x256xf32, #tpu.memory_space<hbm>> -> memref<131072x256xf32, #tpu.memory_space<hbm>>
    tpu.wait_indirect_dma semaphore(%arg12 : memref<!tpu.dma_semaphore, #tpu.memory_space<semaphore_mem>>) src(%dma_wait3A_59 : memref<131072x256xf32, #tpu.memory_space<hbm>>) dst(%dma_wait3A_54 : memref<128x256xf32, #tpu.memory_space<vmem>>)
    %parallel_loop3A = arith.constant 0 : i32
    %parallel_loop3A_60 = arith.constant 256 : i32
    %parallel_loop3A_61 = arith.constant 1 : i32
    scf.for %parallel_loop3A_75 = %parallel_loop3A to %parallel_loop3A_60 step %parallel_loop3A_61  : i32 {
      %parallel_loop3A_76 = arith.constant 4 : i32
      %parallel_loop3A_77 = arith.shrsi %parallel_loop3A_75, %parallel_loop3A_76 : i32
      %parallel_loop3A_78 = arith.constant 15 : i32
      %parallel_loop3A_79 = arith.andi %parallel_loop3A_75, %parallel_loop3A_78 : i32
      %parallel_loop3A_80 = arith.constant 8 : i32
      %parallel_loop3A_81 = arith.muli %parallel_loop3A_77, %parallel_loop3A_80 : i32
      %parallel_loop3A_82 = arith.constant 16 : i32
      %parallel_loop3A_83 = arith.muli %parallel_loop3A_79, %parallel_loop3A_82 : i32
      %parallel_loop3A_84 = arith.index_cast %parallel_loop3A_81 : i32 to index
      %parallel_loop3A_85 = arith.index_cast %parallel_loop3A_83 : i32 to index
      %parallel_loop3A_86 = tpu.vector_load %arg9[%parallel_loop3A_84, %parallel_loop3A_85] {strides = array<i32>} : memref<256x256xf32, #tpu.memory_space<vmem>>, vector<1x16xf32>,
      %parallel_loop3A_87 = vector.shape_cast %parallel_loop3A_86 : vector<1x16xf32> to vector<16xf32>
      %parallel_loop3A_88 = arith.constant 1 : i32
      %parallel_loop3A_89 = arith.addi %parallel_loop3A_81, %parallel_loop3A_88 : i32
      %parallel_loop3A_90 = arith.index_cast %parallel_loop3A_89 : i32 to index
      %parallel_loop3A_91 = arith.index_cast %parallel_loop3A_83 : i32 to index
      %parallel_loop3A_92 = tpu.vector_load %arg9[%parallel_loop3A_90, %parallel_loop3A_91] {strides = array<i32>} : memref<256x256xf32, #tpu.memory_space<vmem>>, vector<1x16xf32>,
      %parallel_loop3A_93 = vector.shape_cast %parallel_loop3A_92 : vector<1x16xf32> to vector<16xf32>
      %parallel_loop3A_94 = arith.addf %parallel_loop3A_87, %parallel_loop3A_93 : vector<16xf32>
      %parallel_loop3A_95 = arith.constant 2 : i32
      %parallel_loop3A_96 = arith.addi %parallel_loop3A_81, %parallel_loop3A_95 : i32
      %parallel_loop3A_97 = arith.index_cast %parallel_loop3A_96 : i32 to index
      %parallel_loop3A_98 = arith.index_cast %parallel_loop3A_83 : i32 to index
      %parallel_loop3A_99 = tpu.vector_load %arg9[%parallel_loop3A_97, %parallel_loop3A_98] {strides = array<i32>} : memref<256x256xf32, #tpu.memory_space<vmem>>, vector<1x16xf32>,
      %parallel_loop3A_100 = vector.shape_cast %parallel_loop3A_99 : vector<1x16xf32> to vector<16xf32>
      %parallel_loop3A_101 = arith.addf %parallel_loop3A_94, %parallel_loop3A_100 : vector<16xf32>
      %parallel_loop3A_102 = arith.constant 3 : i32
      %parallel_loop3A_103 = arith.addi %parallel_loop3A_81, %parallel_loop3A_102 : i32
      %parallel_loop3A_104 = arith.index_cast %parallel_loop3A_103 : i32 to index
      %parallel_loop3A_105 = arith.index_cast %parallel_loop3A_83 : i32 to index
      %parallel_loop3A_106 = tpu.vector_load %arg9[%parallel_loop3A_104, %parallel_loop3A_105] {strides = array<i32>} : memref<256x256xf32, #tpu.memory_space<vmem>>, vector<1x16xf32>,
      %parallel_loop3A_107 = vector.shape_cast %parallel_loop3A_106 : vector<1x16xf32> to vector<16xf32>
      %parallel_loop3A_108 = arith.addf %parallel_loop3A_101, %parallel_loop3A_107 : vector<16xf32>
      %parallel_loop3A_109 = arith.constant 4 : i32
      %parallel_loop3A_110 = arith.addi %parallel_loop3A_81, %parallel_loop3A_109 : i32
      %parallel_loop3A_111 = arith.index_cast %parallel_loop3A_110 : i32 to index
      %parallel_loop3A_112 = arith.index_cast %parallel_loop3A_83 : i32 to index
      %parallel_loop3A_113 = tpu.vector_load %arg9[%parallel_loop3A_111, %parallel_loop3A_112] {strides = array<i32>} : memref<256x256xf32, #tpu.memory_space<vmem>>, vector<1x16xf32>,
      %parallel_loop3A_114 = vector.shape_cast %parallel_loop3A_113 : vector<1x16xf32> to vector<16xf32>
      %parallel_loop3A_115 = arith.addf %parallel_loop3A_108, %parallel_loop3A_114 : vector<16xf32>
      %parallel_loop3A_116 = arith.constant 5 : i32
      %parallel_loop3A_117 = arith.addi %parallel_loop3A_81, %parallel_loop3A_116 : i32
      %parallel_loop3A_118 = arith.index_cast %parallel_loop3A_117 : i32 to index
      %parallel_loop3A_119 = arith.index_cast %parallel_loop3A_83 : i32 to index
      %parallel_loop3A_120 = tpu.vector_load %arg9[%parallel_loop3A_118, %parallel_loop3A_119] {strides = array<i32>} : memref<256x256xf32, #tpu.memory_space<vmem>>, vector<1x16xf32>,
      %parallel_loop3A_121 = vector.shape_cast %parallel_loop3A_120 : vector<1x16xf32> to vector<16xf32>
      %parallel_loop3A_122 = arith.addf %parallel_loop3A_115, %parallel_loop3A_121 : vector<16xf32>
      %parallel_loop3A_123 = arith.constant 6 : i32
      %parallel_loop3A_124 = arith.addi %parallel_loop3A_81, %parallel_loop3A_123 : i32
      %parallel_loop3A_125 = arith.index_cast %parallel_loop3A_124 : i32 to index
      %parallel_loop3A_126 = arith.index_cast %parallel_loop3A_83 : i32 to index
      %parallel_loop3A_127 = tpu.vector_load %arg9[%parallel_loop3A_125, %parallel_loop3A_126] {strides = array<i32>} : memref<256x256xf32, #tpu.memory_space<vmem>>, vector<1x16xf32>,
      %parallel_loop3A_128 = vector.shape_cast %parallel_loop3A_127 : vector<1x16xf32> to vector<16xf32>
      %parallel_loop3A_129 = arith.addf %parallel_loop3A_122, %parallel_loop3A_128 : vector<16xf32>
      %parallel_loop3A_130 = arith.constant 0.142857149 : f32
      %parallel_loop3A_131 = vector.broadcast %parallel_loop3A_130 : f32 to vector<16xf32>
      %parallel_loop3A_132 = arith.mulf %parallel_loop3A_129, %parallel_loop3A_131 : vector<16xf32>
      %parallel_loop3A_133 = arith.index_cast %parallel_loop3A_77 : i32 to index
      %parallel_loop3A_134 = arith.index_cast %parallel_loop3A_83 : i32 to index
      %parallel_loop3A_135 = tpu.vector_load %arg10[%parallel_loop3A_133, %parallel_loop3A_134] {strides = array<i32>} : memref<32x256xf32, #tpu.memory_space<vmem>>, vector<1x16xf32>,
      %parallel_loop3A_136 = vector.shape_cast %parallel_loop3A_135 : vector<1x16xf32> to vector<16xf32>
      %parallel_loop3A_137 = vector.shape_cast %parallel_loop3A_132 : vector<16xf32> to vector<1x16xf32>
      tpu.vector_store %arg10[%parallel_loop3A_133, %parallel_loop3A_134], %parallel_loop3A_137 {strides = array<i32>} : memref<32x256xf32, #tpu.memory_space<vmem>>, vector<1x16xf32>,
    } {sc.loop_unroll_factor = 4 : i64, sc.parallel_access}
    %dma_wait3A_62 = arith.constant 128 : i32
    %dma_wait3A_63 = arith.constant 0 : i32
    %dma_wait3A_64 = tpu.memref_slice %arg9[%dma_wait3A_62, %dma_wait3A_63] : memref<256x256xf32, #tpu.memory_space<vmem>> -> memref<128x256xf32, #tpu.memory_space<vmem>>
    %dma_wait3A_65 = arith.constant 128 : i32
    %dma_wait3A_66 = tpu.memref_slice %arg7[%dma_wait3A_65] : memref<256xi32, #tpu.memory_space<vmem>> -> memref<128xi32, #tpu.memory_space<vmem>>
    %dma_wait3A_67 = arith.constant 0 : i32
    %dma_wait3A_68 = arith.constant 0 : i32
    %dma_wait3A_69 = tpu.memref_slice %arg2[%dma_wait3A_67, %dma_wait3A_68] : memref<131072x256xf32, #tpu.memory_space<hbm>> -> memref<131072x256xf32, #tpu.memory_space<hbm>>
    tpu.wait_indirect_dma semaphore(%arg13 : memref<!tpu.dma_semaphore, #tpu.memory_space<semaphore_mem>>) src(%dma_wait3A_69 : memref<131072x256xf32, #tpu.memory_space<hbm>>) dst(%dma_wait3A_64 : memref<128x256xf32, #tpu.memory_space<vmem>>)
    %parallel_loop3A_70 = arith.constant 256 : i32
    %parallel_loop3A_71 = arith.constant 512 : i32
    %parallel_loop3A_72 = arith.constant 1 : i32
    scf.for %parallel_loop3A_75 = %parallel_loop3A_70 to %parallel_loop3A_71 step %parallel_loop3A_72  : i32 {
      %parallel_loop3A_76 = arith.constant 4 : i32
      %parallel_loop3A_77 = arith.shrsi %parallel_loop3A_75, %parallel_loop3A_76 : i32
      %parallel_loop3A_78 = arith.constant 15 : i32
      %parallel_loop3A_79 = arith.andi %parallel_loop3A_75, %parallel_loop3A_78 : i32
      %parallel_loop3A_80 = arith.constant 8 : i32
      %parallel_loop3A_81 = arith.muli %parallel_loop3A_77, %parallel_loop3A_80 : i32
      %parallel_loop3A_82 = arith.constant 16 : i32
      %parallel_loop3A_83 = arith.muli %parallel_loop3A_79, %parallel_loop3A_82 : i32
      %parallel_loop3A_84 = arith.index_cast %parallel_loop3A_81 : i32 to index
      %parallel_loop3A_85 = arith.index_cast %parallel_loop3A_83 : i32 to index
      %parallel_loop3A_86 = tpu.vector_load %arg9[%parallel_loop3A_84, %parallel_loop3A_85] {strides = array<i32>} : memref<256x256xf32, #tpu.memory_space<vmem>>, vector<1x16xf32>,
      %parallel_loop3A_87 = vector.shape_cast %parallel_loop3A_86 : vector<1x16xf32> to vector<16xf32>
      %parallel_loop3A_88 = arith.constant 1 : i32
      %parallel_loop3A_89 = arith.addi %parallel_loop3A_81, %parallel_loop3A_88 : i32
      %parallel_loop3A_90 = arith.index_cast %parallel_loop3A_89 : i32 to index
      %parallel_loop3A_91 = arith.index_cast %parallel_loop3A_83 : i32 to index
      %parallel_loop3A_92 = tpu.vector_load %arg9[%parallel_loop3A_90, %parallel_loop3A_91] {strides = array<i32>} : memref<256x256xf32, #tpu.memory_space<vmem>>, vector<1x16xf32>,
      %parallel_loop3A_93 = vector.shape_cast %parallel_loop3A_92 : vector<1x16xf32> to vector<16xf32>
      %parallel_loop3A_94 = arith.addf %parallel_loop3A_87, %parallel_loop3A_93 : vector<16xf32>
      %parallel_loop3A_95 = arith.constant 2 : i32
      %parallel_loop3A_96 = arith.addi %parallel_loop3A_81, %parallel_loop3A_95 : i32
      %parallel_loop3A_97 = arith.index_cast %parallel_loop3A_96 : i32 to index
      %parallel_loop3A_98 = arith.index_cast %parallel_loop3A_83 : i32 to index
      %parallel_loop3A_99 = tpu.vector_load %arg9[%parallel_loop3A_97, %parallel_loop3A_98] {strides = array<i32>} : memref<256x256xf32, #tpu.memory_space<vmem>>, vector<1x16xf32>,
      %parallel_loop3A_100 = vector.shape_cast %parallel_loop3A_99 : vector<1x16xf32> to vector<16xf32>
      %parallel_loop3A_101 = arith.addf %parallel_loop3A_94, %parallel_loop3A_100 : vector<16xf32>
      %parallel_loop3A_102 = arith.constant 3 : i32
      %parallel_loop3A_103 = arith.addi %parallel_loop3A_81, %parallel_loop3A_102 : i32
      %parallel_loop3A_104 = arith.index_cast %parallel_loop3A_103 : i32 to index
      %parallel_loop3A_105 = arith.index_cast %parallel_loop3A_83 : i32 to index
      %parallel_loop3A_106 = tpu.vector_load %arg9[%parallel_loop3A_104, %parallel_loop3A_105] {strides = array<i32>} : memref<256x256xf32, #tpu.memory_space<vmem>>, vector<1x16xf32>,
      %parallel_loop3A_107 = vector.shape_cast %parallel_loop3A_106 : vector<1x16xf32> to vector<16xf32>
      %parallel_loop3A_108 = arith.addf %parallel_loop3A_101, %parallel_loop3A_107 : vector<16xf32>
      %parallel_loop3A_109 = arith.constant 4 : i32
      %parallel_loop3A_110 = arith.addi %parallel_loop3A_81, %parallel_loop3A_109 : i32
      %parallel_loop3A_111 = arith.index_cast %parallel_loop3A_110 : i32 to index
      %parallel_loop3A_112 = arith.index_cast %parallel_loop3A_83 : i32 to index
      %parallel_loop3A_113 = tpu.vector_load %arg9[%parallel_loop3A_111, %parallel_loop3A_112] {strides = array<i32>} : memref<256x256xf32, #tpu.memory_space<vmem>>, vector<1x16xf32>,
      %parallel_loop3A_114 = vector.shape_cast %parallel_loop3A_113 : vector<1x16xf32> to vector<16xf32>
      %parallel_loop3A_115 = arith.addf %parallel_loop3A_108, %parallel_loop3A_114 : vector<16xf32>
      %parallel_loop3A_116 = arith.constant 5 : i32
      %parallel_loop3A_117 = arith.addi %parallel_loop3A_81, %parallel_loop3A_116 : i32
      %parallel_loop3A_118 = arith.index_cast %parallel_loop3A_117 : i32 to index
      %parallel_loop3A_119 = arith.index_cast %parallel_loop3A_83 : i32 to index
      %parallel_loop3A_120 = tpu.vector_load %arg9[%parallel_loop3A_118, %parallel_loop3A_119] {strides = array<i32>} : memref<256x256xf32, #tpu.memory_space<vmem>>, vector<1x16xf32>,
      %parallel_loop3A_121 = vector.shape_cast %parallel_loop3A_120 : vector<1x16xf32> to vector<16xf32>
      %parallel_loop3A_122 = arith.addf %parallel_loop3A_115, %parallel_loop3A_121 : vector<16xf32>
      %parallel_loop3A_123 = arith.constant 6 : i32
      %parallel_loop3A_124 = arith.addi %parallel_loop3A_81, %parallel_loop3A_123 : i32
      %parallel_loop3A_125 = arith.index_cast %parallel_loop3A_124 : i32 to index
      %parallel_loop3A_126 = arith.index_cast %parallel_loop3A_83 : i32 to index
      %parallel_loop3A_127 = tpu.vector_load %arg9[%parallel_loop3A_125, %parallel_loop3A_126] {strides = array<i32>} : memref<256x256xf32, #tpu.memory_space<vmem>>, vector<1x16xf32>,
      %parallel_loop3A_128 = vector.shape_cast %parallel_loop3A_127 : vector<1x16xf32> to vector<16xf32>
      %parallel_loop3A_129 = arith.addf %parallel_loop3A_122, %parallel_loop3A_128 : vector<16xf32>
      %parallel_loop3A_130 = arith.constant 0.142857149 : f32
      %parallel_loop3A_131 = vector.broadcast %parallel_loop3A_130 : f32 to vector<16xf32>
      %parallel_loop3A_132 = arith.mulf %parallel_loop3A_129, %parallel_loop3A_131 : vector<16xf32>
      %parallel_loop3A_133 = arith.index_cast %parallel_loop3A_77 : i32 to index
      %parallel_loop3A_134 = arith.index_cast %parallel_loop3A_83 : i32 to index
      %parallel_loop3A_135 = tpu.vector_load %arg10[%parallel_loop3A_133, %parallel_loop3A_134] {strides = array<i32>} : memref<32x256xf32, #tpu.memory_space<vmem>>, vector<1x16xf32>,
      %parallel_loop3A_136 = vector.shape_cast %parallel_loop3A_135 : vector<1x16xf32> to vector<16xf32>
      %parallel_loop3A_137 = vector.shape_cast %parallel_loop3A_132 : vector<16xf32> to vector<1x16xf32>
      tpu.vector_store %arg10[%parallel_loop3A_133, %parallel_loop3A_134], %parallel_loop3A_137 {strides = array<i32>} : memref<32x256xf32, #tpu.memory_space<vmem>>, vector<1x16xf32>,
    } {sc.loop_unroll_factor = 4 : i64, sc.parallel_access}
    %mul3A_73 = arith.constant 32 : i32
    %mul3A_74 = arith.muli %add3A, %mul3A_73 : i32
    "tpu.region"() ({
      %run_scoped3A = tpu.sem_alloc : memref<!tpu.dma_semaphore, #tpu.memory_space<semaphore_mem>>
      %dma_start3A_75 = arith.constant 0 : i32
      %dma_start3A_76 = tpu.memref_slice %arg5[%mul3A_74, %dma_start3A_75] : memref<1024x256xf32, #tpu.memory_space<hbm>> -> memref<32x256xf32, #tpu.memory_space<hbm>>
      %dma_start3A_77 = arith.constant 0 : i32
      %dma_start3A_78 = tpu.memref_slice %arg5[%mul3A_74, %dma_start3A_77] : memref<1024x256xf32, #tpu.memory_space<hbm>> -> memref<32x256xf32, #tpu.memory_space<hbm>>
      tpu.enqueue_dma source(%arg10 : memref<32x256xf32, #tpu.memory_space<vmem>>) target(%dma_start3A_78 : memref<32x256xf32, #tpu.memory_space<hbm>>) target_semaphore(%run_scoped3A : memref<!tpu.dma_semaphore, #tpu.memory_space<semaphore_mem>>)
      %dma_wait3A_79 = arith.constant 0 : i32
      %dma_wait3A_80 = tpu.memref_slice %arg5[%mul3A_74, %dma_wait3A_79] : memref<1024x256xf32, #tpu.memory_space<hbm>> -> memref<32x256xf32, #tpu.memory_space<hbm>>
      %dma_wait3A_81 = arith.constant 0 : i32
      %dma_wait3A_82 = tpu.memref_slice %arg5[%mul3A_74, %dma_wait3A_81] : memref<1024x256xf32, #tpu.memory_space<hbm>> -> memref<32x256xf32, #tpu.memory_space<hbm>>
      tpu.wait_dma2 semaphore(%run_scoped3A : memref<!tpu.dma_semaphore, #tpu.memory_space<semaphore_mem>>) src(%arg10 : memref<32x256xf32, #tpu.memory_space<vmem>>) dst(%dma_wait3A_82 : memref<32x256xf32, #tpu.memory_space<hbm>>)
      tpu.yield
    }) : () -> ()
    return
  }
}

module attributes {stable_mosaic.version = 14 : i64} {
  func.func @_tc_mlp_body(%arg0: memref<1024x256xf32, #tpu.memory_space<vmem>>, %arg1: memref<16x256xf32, #tpu.memory_space<vmem>>, %arg2: memref<512x128xf32, #tpu.memory_space<vmem>>, %arg3: memref<128xf32, #tpu.memory_space<vmem>>, %arg4: memref<128x1xf32, #tpu.memory_space<vmem>>, %arg5: memref<1xf32, #tpu.memory_space<vmem>>, %arg6: memref<16x64xf32, #tpu.memory_space<vmem>>, %arg7: memref<16x64xf32, #tpu.memory_space<vmem>>, %arg8: memref<16x64xf32, #tpu.memory_space<vmem>>, %arg9: memref<16xf32, #tpu.memory_space<vmem>>) attributes {dimension_semantics = [], scalar_prefetch = 0 : i64, scratch_operands = 0 : i64, tpu.core_type = #tpu.core_type<tc>} {
    %get3A = arith.constant 0 : index
    %get3A_0 = arith.constant 0 : index
    %get3A_1 = vector.load %arg0[%get3A, %get3A_0] : memref<1024x256xf32, #tpu.memory_space<vmem>>, vector<1024x256xf32>
    %get3A_2 = arith.constant 0 : index
    %get3A_3 = arith.constant 0 : index
    %get3A_4 = vector.load %arg2[%get3A_2, %get3A_3] : memref<512x128xf32, #tpu.memory_space<vmem>>, vector<256x128xf32>
    %get3A_5 = arith.constant 256 : index
    %get3A_6 = arith.constant 0 : index
    %get3A_7 = vector.load %arg2[%get3A_5, %get3A_6] : memref<512x128xf32, #tpu.memory_space<vmem>>, vector<256x128xf32>
    %dot_general3A = arith.constant dense<0.000000e+00> : vector<1024x128xf32>
    %dot_general3A_8 = tpu.matmul %get3A_1, %get3A_4, %dot_general3A {dimension_numbers = #tpu.dot_dimension_numbers<[1], [0], [0], [1], [0, 0, 1, 1], [], []>, transpose_lhs_hint = false} : vector<1024x256xf32>, vector<256x128xf32>, vector<1024x128xf32> -> vector<1024x128xf32>
    %get3A_9 = arith.constant 0 : index
    %get3A_10 = arith.constant 0 : index
    %get3A_11 = vector.load %arg1[%get3A_9, %get3A_10] : memref<16x256xf32, #tpu.memory_space<vmem>>, vector<16x256xf32>
    %dot_general3A_12 = arith.constant dense<0.000000e+00> : vector<16x128xf32>
    %dot_general3A_13 = tpu.matmul %get3A_11, %get3A_7, %dot_general3A_12 {dimension_numbers = #tpu.dot_dimension_numbers<[1], [0], [0], [1], [0, 0, 1, 1], [], []>, transpose_lhs_hint = false} : vector<16x256xf32>, vector<256x128xf32>, vector<16x128xf32> -> vector<16x128xf32>
    %reshape3A = vector.shape_cast %dot_general3A_8 : vector<1024x128xf32> to vector<16x64x128xf32>
    %broadcast_in_dim3A = vector.shape_cast %dot_general3A_13 : vector<16x128xf32> to vector<16x1x128xf32>
    %add3A = vector.broadcast %broadcast_in_dim3A : vector<16x1x128xf32> to vector<16x64x128xf32>
    %add3A_14 = arith.addf %reshape3A, %add3A : vector<16x64x128xf32>
    %get3A_15 = arith.constant 0 : index
    %get3A_16 = vector.load %arg3[%get3A_15] : memref<128xf32, #tpu.memory_space<vmem>>, vector<128xf32>
    %broadcast_in_dim3A_17 = vector.shape_cast %get3A_16 : vector<128xf32> to vector<1x1x128xf32>
    %add3A_18 = vector.broadcast %broadcast_in_dim3A_17 : vector<1x1x128xf32> to vector<16x64x128xf32>
    %add3A_19 = arith.addf %add3A_14, %add3A_18 : vector<16x64x128xf32>
    %max3A = arith.constant 0.000000e+00 : f32
    %max3A_20 = vector.broadcast %max3A : f32 to vector<16x64x128xf32>
    %max3A_21 = arith.maximumf %add3A_19, %max3A_20 : vector<16x64x128xf32>
    %reshape3A_22 = vector.shape_cast %max3A_21 : vector<16x64x128xf32> to vector<1024x128xf32>
    %get3A_23 = arith.constant 0 : index
    %get3A_24 = arith.constant 0 : index
    %get3A_25 = vector.load %arg4[%get3A_23, %get3A_24] : memref<128x1xf32, #tpu.memory_space<vmem>>, vector<128x1xf32>
    %dot_general3A_26 = arith.constant dense<0.000000e+00> : vector<1024x1xf32>
    %dot_general3A_27 = tpu.matmul %reshape3A_22, %get3A_25, %dot_general3A_26 {dimension_numbers = #tpu.dot_dimension_numbers<[1], [0], [0], [1], [0, 0, 1, 1], [], []>, transpose_lhs_hint = false} : vector<1024x128xf32>, vector<128x1xf32>, vector<1024x1xf32> -> vector<1024x1xf32>
    %reshape3A_28 = vector.shape_cast %dot_general3A_27 : vector<1024x1xf32> to vector<16x64xf32>
    %get3A_29 = arith.constant 0 : index
    %get3A_30 = vector.load %arg5[%get3A_29] : memref<1xf32, #tpu.memory_space<vmem>>, vector<1xf32>
    %broadcast_in_dim3A_31 = vector.shape_cast %get3A_30 : vector<1xf32> to vector<1x1xf32>
    %add3A_32 = vector.broadcast %broadcast_in_dim3A_31 : vector<1x1xf32> to vector<16x64xf32>
    %add3A_33 = arith.addf %reshape3A_28, %add3A_32 : vector<16x64xf32>
    %get3A_34 = arith.constant 0 : index
    %get3A_35 = arith.constant 0 : index
    %get3A_36 = vector.load %arg6[%get3A_34, %get3A_35] : memref<16x64xf32, #tpu.memory_space<vmem>>, vector<16x64xf32>
    %gt3A = arith.constant 0.000000e+00 : f32
    %gt3A_37 = vector.broadcast %gt3A : f32 to vector<16x64xf32>
    %gt3A_38 = arith.cmpf ogt, %get3A_36, %gt3A_37 : vector<16x64xf32>
    %jit3A = arith.constant 0xFF800000 : f32
    %broadcast_in_dim3A_39 = vector.broadcast %jit3A : f32 to vector<16x64xf32>
    %select_n3A = arith.select %gt3A_38, %add3A_33, %broadcast_in_dim3A_39 : vector<16x64xi1>, vector<16x64xf32>
    %reduce_max3A = arith.constant dense<0xFF800000> : vector<16xf32>
    %reduce_max3A_40 = vector.multi_reduction <maximumf>, %select_n3A, %reduce_max3A [1] : vector<16x64xf32> to vector<16xf32>
    %broadcast_in_dim3A_41 = vector.shape_cast %reduce_max3A_40 : vector<16xf32> to vector<16x1xf32>
    %sub3A = vector.broadcast %broadcast_in_dim3A_41 : vector<16x1xf32> to vector<16x64xf32>
    %sub3A_42 = arith.subf %select_n3A, %sub3A : vector<16x64xf32>
    %exp3A = math.exp %sub3A_42 : vector<16x64xf32>
    %reduce_sum3A = arith.constant dense<0.000000e+00> : vector<16xf32>
    %reduce_sum3A_43 = vector.multi_reduction <add>, %exp3A, %reduce_sum3A [1] : vector<16x64xf32> to vector<16xf32>
    %broadcast_in_dim3A_44 = vector.shape_cast %reduce_sum3A_43 : vector<16xf32> to vector<16x1xf32>
    %div3A = vector.broadcast %broadcast_in_dim3A_44 : vector<16x1xf32> to vector<16x64xf32>
    %div3A_45 = arith.divf %exp3A, %div3A : vector<16x64xf32>
    %sub3A_46 = vector.broadcast %broadcast_in_dim3A_41 : vector<16x1xf32> to vector<16x64xf32>
    %sub3A_47 = arith.subf %select_n3A, %sub3A_46 : vector<16x64xf32>
    %log3A = math.log %broadcast_in_dim3A_44 : vector<16x1xf32>
    %sub3A_48 = vector.broadcast %log3A : vector<16x1xf32> to vector<16x64xf32>
    %sub3A_49 = arith.subf %sub3A_47, %sub3A_48 : vector<16x64xf32>
    %swap3A = arith.constant 0 : index
    %swap3A_50 = arith.constant 0 : index
    %swap3A_51 = vector.load %arg7[%swap3A, %swap3A_50] : memref<16x64xf32, #tpu.memory_space<vmem>>, vector<16x64xf32>
    tpu.vector_store %arg7[%swap3A, %swap3A_50], %div3A_45 {strides = array<i32>} : memref<16x64xf32, #tpu.memory_space<vmem>>, vector<16x64xf32>,
    %swap3A_52 = arith.constant 0 : index
    %swap3A_53 = arith.constant 0 : index
    %swap3A_54 = vector.load %arg8[%swap3A_52, %swap3A_53] : memref<16x64xf32, #tpu.memory_space<vmem>>, vector<16x64xf32>
    tpu.vector_store %arg8[%swap3A_52, %swap3A_53], %sub3A_49 {strides = array<i32>} : memref<16x64xf32, #tpu.memory_space<vmem>>, vector<16x64xf32>,
    %jit3A_55 = arith.constant 0.000000e+00 : f32
    %broadcast_in_dim3A_56 = vector.broadcast %jit3A_55 : f32 to vector<16x64xf32>
    %select_n3A_57 = arith.select %gt3A_38, %sub3A_49, %broadcast_in_dim3A_56 : vector<16x64xi1>, vector<16x64xf32>
    %mul3A = arith.mulf %div3A_45, %select_n3A_57 : vector<16x64xf32>
    %reduce_sum3A_58 = arith.constant dense<0.000000e+00> : vector<16xf32>
    %reduce_sum3A_59 = vector.multi_reduction <add>, %mul3A, %reduce_sum3A_58 [1] : vector<16x64xf32> to vector<16xf32>
    %neg3A = arith.constant 0.000000e+00 : f32
    %neg3A_60 = vector.broadcast %neg3A : f32 to vector<16xf32>
    %neg3A_61 = arith.subf %neg3A_60, %reduce_sum3A_59 : vector<16xf32>
    %swap3A_62 = arith.constant 0 : index
    %swap3A_63 = vector.load %arg9[%swap3A_62] : memref<16xf32, #tpu.memory_space<vmem>>, vector<16xf32>
    tpu.vector_store %arg9[%swap3A_62], %neg3A_61 {strides = array<i32>} : memref<16xf32, #tpu.memory_space<vmem>>, vector<16xf32>,
    return
  }
}

</mosaic_0001>

<sc_bundles>
// kernel: kernel.4.cloned.1.call-start
scs
__scs_entry_jumppad:
0x0: {  	(pc) =	sbr.rel $0x88, $3  }
0x1: {  	(tag) =	ssettag $0x0;
	lr =	simm.s32 $0x1  }
0x2: {  	[smem:$0x3F98] =	sst lr;
	_ =	strace $0xD0000000  }
0x3: {  	_ = 	snop  }
0x4: {  	_ = 	snop  }
0x5: {  	_ = 	snop  }
0x6: {  	_ = 	snop  }
0x7: {  	_ = 	snop  }
__scs_overlays_trampoline_lowered:
0x8: {  	[smem:$0x3FA7] =	sst s0  }
0x9: {  	[smem:$0x3FA8] =	sst s1  }
0xa: {  	[smem:$0x3FA9] =	sst s2  }
0xb: {  	[smem:$0x3FAA] =	sst s3  }
0xc: {  	[smem:$0x3FAB] =	sst s4  }
0xd: {  	[smem:$0x3FAC] =	sst s5  }
0xe: {  	[smem:$0x3FAD] =	sst s6  }
0xf: {  	[smem:$0x3FAE] =	sst s7  }
0x10: {  	[smem:$0x3FAF] =	sst s8  }
0x11: {  	[smem:$0x3FB0] =	sst s9;
	s0 =	simm.s32 @!p0 $0x0  }
0x12: {  	s1 =	sld [smem:$0x3F96];
	s0 =	simm.s32 @p0 $0x1  }
0x13: {  	[smem:$0x3FB1] =	sst s0;
	s0 =	simm.s32 @!p1 $0x0  }
0x14: {  	s2 =	sld [smem:$0x3F95];
	s0 =	simm.s32 @p1 $0x1  }
0x15: {  	[smem:$0x3FB2] =	sst s0;
	s0 =	simm.s32 @!p2 $0x0  }
0x16: {  	s3 =	sld [smem:$0x3FDB];
	s0 =	simm.s32 @p2 $0x1  }
0x17: {  	s4 =	simm.s32 $0x1BF5;
	[smem:$0x3FB4] =	sst s0  }
0x18: {  	s0 =	sld [smem:$0x3F97];
	_ =	swait.ge [sflag:s4], $0x0  }
0x19: {  	s7 =	sld [smem:$0x3F98]  }
0x1a: {  	s8 =	sadd.s32 $0xFFFFE003, lr  }
0x1b: {  	s9 =	sadd.s32 $0xFFFFFEF7, lr;
	s5 =	simm.s32 $0xFFFFFFFF;
	p2 =	slt.u32 s8, $0xFFFFF086  }
0x1c: {  	p1 =	slt.u32 s9, $0xF7A;
	s5 =	simm.s32 @!p2 $0x0  }
0x1d: {  	s5 =	simm.s32 @p1 $0x1;
	p0 =	seq.s32 s7, s2  }
0x1e: {  	s7 =	smul.u32 @!p0 $0xF7A, s2;
	p2 =	seq.s32 @!p0 s5, $0x0  }
0x1f: {  	s9 =	smul.u32 $0xF7A, s1;
	s8 =	simm.s32 @!p0 $0x1BF5;
	p2 =	por !p2, p0  }
0x20: {  	[sflag:s8] =	ssyncset.s32 @!p0 $0xFFFFF086;
	s6 =	sadd.s32 @!p0 s3, s7;
	s7 =	simm.s32 @!p0 $0x108  }
0x21: {  	s3 =	sadd.s32 s3, s9;
	s6 =	sadd.s32 @!p0 $0x88, s6;
	s7 =	simm.s32 @p2 $0x1082  }
0x22: {  	[simem:s7], [sflag:s8] =	dma.local @!p0 [hbm:s6], $0xF7A  }
0x23: {  	s9 =	sor.u32 $0xD0000000, s2;
	s6 =	simm.s32 $0x108;
	_ =	swait.ge @!p0 [sflag:s8], $0x0  }
0x24: {  	s3 =	sadd.s32 $0x88, s3;
	s6 =	simm.s32 @!p1 $0x1082;
	[sflag:s4] =	ssyncset.s32 $0xFFFFF086  }
0x25: {  	[simem:s6], [sflag:s4] =	dma.local [hbm:s3], $0xF7A  }
0x26: {  	[smem:$0x3F98] =	sst s1;
	(tag) =	ssettag s2;
	_ =	strace s9  }
0x27: {  	s1 =	sld [smem:$0x3FA8]  }
0x28: {  	s2 =	sld [smem:$0x3FA9]  }
0x29: {  	s4 =	sld [smem:$0x3FAB]  }
0x2a: {  	p0 =	seq.s32 s5, $0x0;
	s5 =	sld [smem:$0x3FAC]  }
0x2b: {  	s6 =	sld [smem:$0x3FAD]  }
0x2c: {  	s7 =	sld [smem:$0x3FAE]  }
0x2d: {  	s3 =	simm.s32 $0x108;
	s8 =	sld [smem:$0x3FAF]  }
0x2e: {  	s3 =	simm.s32 @!p0 $0x1082;
	s9 =	sld [smem:$0x3FB0]  }
0x2f: {  	lr =	sadd.s32 s0, s3;
	s0 =	sld [smem:$0x3FA7]  }
0x30: {  	s3 =	sld [smem:$0x3FAA]  }
0x31: {  	[smem:$0x3FB3] =	sst s10  }
0x32: {  	s10 =	sld [smem:$0x3FB1];
	_ =	sdelay $0x3  }
0x33: {  	p0 =	seq.s32 s10, $0x1;
	s10 =	sld [smem:$0x3FB3];
	_ =	sdelay $0x3  }
0x34: {  	[smem:$0x3FB3] =	sst s10  }
0x35: {  	s10 =	sld [smem:$0x3FB2];
	_ =	sdelay $0x3  }
0x36: {  	p1 =	seq.s32 s10, $0x1;
	s10 =	sld [smem:$0x3FB3];
	_ =	sdelay $0x3  }
0x37: {  	[smem:$0x3FB3] =	sst s10  }
0x38: {  	s10 =	sld [smem:$0x3FB4]  }
0x39: {  	_ = 	snop;
	(pc) =	sbr.ind lr, $3  }
0x3a: {  	_ = 	snop  }
0x3b: {  	_ = 	snop  }
0x3c: {  	p2 =	seq.s32 s10, $0x1;
	s10 =	sld [smem:$0x3FB3]  }
0x3d: {  	_ =	shalt  }
0x3e: {  	_ =	shalt  }
0x3f: {  	_ =	shalt  }
0x40: {  	_ =	shalt  }
0x41: {  	_ =	shalt  }
0x42: {  	_ =	shalt  }
0x43: {  	_ =	shalt  }
0x44: {  	_ =	shalt  }
0x45: {  	_ =	shalt  }
0x46: {  	_ =	shalt  }
0x47: {  	_ =	shalt  }
0x48: {  	_ =	shalt  }
0x49: {  	_ =	shalt  }
0x4a: {  	_ =	shalt  }
0x4b: {  	_ =	shalt  }
0x4c: {  	_ =	shalt  }
0x4d: {  	_ =	shalt  }
0x4e: {  	_ =	shalt  }
0x4f: {  	_ =	shalt  }
0x50: {  	_ =	shalt  }
0x51: {  	_ =	shalt  }
0x52: {  	_ =	shalt  }
0x53: {  	_ =	shalt  }
0x54: {  	_ =	shalt  }
0x55: {  	_ =	shalt  }
0x56: {  	_ =	shalt  }
0x57: {  	_ =	shalt  }
0x58: {  	_ =	shalt  }
0x59: {  	_ =	shalt  }
0x5a: {  	_ =	shalt  }
0x5b: {  	_ =	shalt  }
0x5c: {  	_ =	shalt  }
0x5d: {  	_ =	shalt  }
0x5e: {  	_ =	shalt  }
0x5f: {  	_ =	shalt  }
0x60: {  	_ =	shalt  }
0x61: {  	_ =	shalt  }
0x62: {  	_ =	shalt  }
0x63: {  	_ =	shalt  }
0x64: {  	_ =	shalt  }
0x65: {  	_ =	shalt  }
0x66: {  	_ =	shalt  }
0x67: {  	_ =	shalt  }
0x68: {  	_ =	shalt  }
0x69: {  	_ =	shalt  }
0x6a: {  	_ =	shalt  }
0x6b: {  	_ =	shalt  }
0x6c: {  	_ =	shalt  }
0x6d: {  	_ =	shalt  }
0x6e: {  	_ =	shalt  }
0x6f: {  	_ =	shalt  }
0x70: {  	_ =	shalt  }
0x71: {  	_ =	shalt  }
0x72: {  	_ =	shalt  }
0x73: {  	_ =	shalt  }
0x74: {  	_ =	shalt  }
0x75: {  	_ =	shalt  }
0x76: {  	_ =	shalt  }
0x77: {  	_ =	shalt  }
0x78: {  	_ =	shalt  }
0x79: {  	_ =	shalt  }
0x7a: {  	_ =	shalt  }
0x7b: {  	_ =	shalt  }
0x7c: {  	_ =	shalt  }
0x7d: {  	_ =	shalt  }
0x7e: {  	_ =	shalt  }
0x7f: {  	_ =	shalt  }
0x80: {  	_ =	shalt  }
0x81: {  	_ =	shalt  }
0x82: {  	_ =	shalt  }
0x83: {  	_ =	shalt  }
0x84: {  	_ =	shalt  }
0x85: {  	_ =	shalt  }
0x86: {  	_ =	shalt  }
0x87: {  	_ =	shalt  }
.Lfunc_end0:
.L_simem_size_0:
called_computation_lowered:
.L_overlay_start_0:
0x88: {  	s2 =	sld [smem:$0x3FD9]  }
0x89: {  	s3 =	sld [smem:$0x3FFE];
	_ =	sdelay $0x1  }
0x8a: {  	s1 =	srdreg.scid  }
0x8b: {  	s0 =	sand.u32 $0x1, s1  }
0x8c: {  	s17 =	sshll.u32 s0, $0xA;
	s2 =	sadd.s32 s3, s2  }
0x8d: {  	s2 =	sadd.s32 s2, s17  }
0x8e: {  	[smem:$0x3FBF] =	sst s2  }
0x8f: {  	_ = 	snop  }
0x90: {  	s2 =	sld [smem:$0x3FC9];
	(tm) =	ssettm $0x1  }
0x91: {  	s18 =	sld [smem:$0x3FFB];
	_ =	sdelay $0x3  }
0x92: {  	_ =	strace s18  }
0x93: {  	s3 =	sld [smem:$0x3FFC];
	_ =	sdelay $0x3  }
0x94: {  	_ =	strace s3  }
0x95: {  	s3 =	sld [smem:$0x3FFD];
	_ =	sdelay $0x3  }
0x96: {  	_ =	strace s3  }
0x97: {  	_ =	strace $0x8FFFFFFF  }
0x98: {  	s19 =	sld [smem:$0x3FDB];
	_ =	sdelay $0x1  }
0x99: {  	s4 =	simm.s32 $_scs_section_size  }
0x9a: {  	s5 =	simm.s32 $_size__tile_overlayer_lowered;
	s6 =	simm.s32 $_tile_overlayer_lowered  }
0x9b: {  	s22 =	simm.s32 $0x1BFF;
	s21 =	sshll.u32 s6, $0x1;
	s3 =	sadd.s32 s4, s19  }
0x9c: {  	s7 =	simm.s32 $0x0;
	s20 =	sshll.u32 s5, $0x1;
	s5 =	sadd.s32 s21, s3  }
0x9d: {  	[timem:s7], [sflag:s22] =	dma.local [hbm:s5], s20  }
0x9e: {  	_ =	swait.ge [sflag:s22], s20  }
0x9f: {  	s4 =	ssub.s32 $0x0, s20;
	[sflag:s22] =	ssyncset.done $0x0  }
0xa0: {  	[sflag:s22] =	ssyncadd.s32 s4;
	_ =	sdelay $0x1  }
0xa1: {  	s23 =	simm.s32 $0x1B8B  }
0xa2: {  	_ =	swait.ge [sflag:s23], $0x1  }
0xa3: {  	[sflag:s23] =	ssyncset.done $0x0  }
0xa4: {  	s25 =	simm.s32 $0x1B8E;
	s24 =	sld [smem:$0x3FFE];
	[sflag:s23] =	ssyncadd.s32 $0xFFFFFFFF  }
0xa5: {  	s26 =	simm.s32 $execute0_lowered;
	[smem:$0x3FD2] =	sst s25  }
0xa6: {  	s5 =	sshll.u32 s26, $0x1;
	_ =	strace $0x80000046;
	[dreg:$0x1] =	wrdreg $0xFFFFFFFF  }
0xa7: {  	s28 =	simm.s32 $_size_execute0_lowered;
	s3 =	sadd.s32 s3, s5;
	[dreg:$0x0] =	wrdreg $0x0  }
0xa8: {  	s5 =	sshll.u32 s28, $0x1;
	[dreg:$0x2] =	wrdreg s3  }
0xa9: {  	[dreg:$0x3] =	wrdreg s5  }
0xaa: {  	[dreg:$0x4] =	wrdreg $0xC0  }
0xab: {  	_ =	task [dreg:s7], $0x5FFFF  }
0xac: {  	[dreg:$0x1] =	wrdreg $0xFFFFFFFF  }
0xad: {  	[dreg:$0x0] =	wrdreg $0x60  }
0xae: {  	[dreg:$0x2] =	wrdreg s2  }
0xaf: {  	[dreg:$0x3] =	wrdreg s24  }
0xb0: {  	[dreg:$0x4] =	wrdreg $0x9  }
0xb1: {  	_ =	task.clear_ibuf [dreg:s7], $0x5FFFF;
	_ =	strace $0x90000046  }
0xb2: {  	s29 =	simm.s32 $0x9;
	_ =	strace $0x80000048  }
0xb3: {  	_ =	swait.ge [sflag:s29], $0x1  }
0xb4: {  	[sflag:s29] =	ssyncadd.s32 $0xFFFFFFFF  }
0xb5: {  	_ =	strace $0x90000048  }
0xb6: {  	_ =	sfence  }
0xb7: {  	s30 =	sld [smem:$0x0];
	_ =	sdelay $0x2  }
0xb8: {  	s31 =	sshll.u32 s1, $0xD;
	s1 =	sshrl.u32 s1, $0x2  }
0xb9: {  	s3 =	sand.u32 $0x4000, s31;
	s1 =	sadd.s32 s1, s30  }
0xba: {  	s0 =	sor.u32 s3, s0;
	s1 =	sshll.u32 s1, $0x11  }
0xbb: {  	s0 =	sor.u32 s1, s0  }
0xbc: {  	s0 =	sadd.s32 $0x8F2B, s0  }
0xbd: {  	[sflag:s0] =	ssyncadd.remote.s32 $0x1  }
0xbe: {  	_ =	sfence.sel $0xFFFF  }
0xbf: {  	[dreg:$0x0] =	wrdreg $0xFFFFFFFF;
	(pc) =	sbr.abs _section_cstart, $3  }
0xc0: {  	[dreg:$0x1] =	wrdreg $0xFFFFFFFF  }
0xc1: {  	_ =	task.clear_ibuf [dreg:s7], $0x2FFFF;
	_ =	strace $0x9FFFFFFF  }
0xc2: {  	(tm) =	ssettm $0x7FFFFFFF  }
0xc3: {  	_ =	shalt  }
tec
execute0_lowered:
.L_overlay_start_1:
0x0: {  	(tag) =	ssettag $0x1  }
0x1: {  	s2 =	rddreg [dreg:$0x0]  }
0x2: {  	s0 =	rddreg [dreg:$0x1]  }
0x3: {  	s1 =	srdreg.scid;
	s4 =	stileid.u32;
	s3 =	simm.s32 $0x0  }
0x4: {  	s9 =	simm.s32 $0x1;
	s15 =	simm.s32 $0xEB00;
	s16 =	simm.s32 $0xF300  }
0x5: {  	s17 =	simm.s32 $0xFB00;
	s18 =	simm.s32 $0x2;
	s19 =	simm.s32 $0x3  }
0x6: {  	s20 =	simm.s32 $0x10300;
	s21 =	simm.s32 $0x4;
	s22 =	simm.s32 $0x0  }
0x7: {  	s1 =	sand.u32 $0x1, s1;
	s4 =	sshll.u32 s4, $0x1;
	[smem:$0x7FF] =	sst s3  }
0x8: {  	s4 =	sor.u32 s1, s4;
	_ =	strace $0x80000047;
	s1 =	ssub.s32 $0x2, s1  }
0x9: {  	s5 =	sshll.u32 s4, $0x5;
	s6 =	sshll.u32 s4, $0x4;
	s4 =	sshll.u32 s4, $0xA  }
0xa: {  	v3 =	vlaneseq.u32;
	s7 =	sshrl.u32 s1, $0x1;
	s5 =	sadd.s32 s5, s0;
	s6 =	sadd.s32 s6, s0  }
0xb: {  	v0 =	vimm.s32 $0x0;
	vm0 =	vmmov $0xffff;
	v2 =	vshrl.u32 v3, $0x3;
	s0 =	sadd.s32 s4, s0;
	s1 =	ssub.s32 s1, s7;
	s4 =	sadd.s32 $0x1200, s5  }
0xc: {  	v1 =	vand.u32 $0x7, v3;
	v3 =	vor.u32 $0x8, v3;
	v2 =	vmul.u32 $0x8, v2;
	s5 =	sadd.s32 $0x1600, s6;
	s6 =	sadd.s32 $0x1800, s0;
	s7 =	smax.u32 s1, $0x1  }
.LBB2_1:
0xd: {  	[tilespmem:s3], [sflag:$0x1] =	stream.linear.gather [hbm4b:s4+s3], $0x100, $0x38;
	[tilespmem:$0x12300] =	vst v63  }
0xe: {  	s0 =	simm.s32 $0x280  }
0xf: {  	[tilespmem:s0], [sflag:$0x1] =	stream.linear.gather [hbm4b:s5+s3], $0x80, $0x38;
	[tilespmem:$0x12300] =	vst v63  }
0x10: {  	_ =	swait.ge [sflag:s9], $0x100  }
0x11: {  	[sflag:s9] =	ssyncset.done $0x0  }
0x12: {  	[sflag:s9] =	ssyncadd.s32 $0xFFFFFF00  }
0x13: {  	_ =	swait.ge [sflag:s9], $0x80  }
0x14: {  	[sflag:s9] =	ssyncset.done $0x0  }
0x15: {  	[sflag:s9] =	ssyncadd.s32 $0xFFFFFF80  }
0x16: {  	s0 =	simm.s32 $0x0;
	[tilespmem:$0x100] =	vst v0;
	v4 =	vld [tilespmem:$0x280]  }
0x17: {  	v5 =	vld [tilespmem:s0+$0x0]  }
0x18: {  	s1 =	simm.s32 $0x40;
	v6 =	vld [tilespmem:s0+$0x1]  }
.LBB2_2:
0x19: {  	_ = 	snop  }
0x1a: {  	p0 =	sne.s32 s1, $0x3C0  }
.Ltmp0:
0x1b: {  	_ = 	snop;
	(pc) =	sbr.rel @p0 .LBB2_2-.Ltmp0, $4  }
0x1c: {  	v7 =	vshll.u32 v5, $0x8  }
0x1d: {  	s8 =	sshra.s32 s1, $0x2;
	v8 =	vshll.u32 v6, $0x3;
	v7 =	vadd.s32 v4, v7  }
0x1e: {  	v5 =	vld [tilespmem:s8+$0x0];
	v7 =	vadd.s32 v8, v7  }
0x1f: {  	s1 =	sadd.s32 $0x40, s1;
	v6 =	vld [tilespmem:s8+$0x1];
	[tilespmem:s0+$0x180] =	vst v7;
	s0 =	smov.u32 s8  }
0x20: {  	_ =	sdelay $0x2  }
0x21: {  	v5 =	vshll.u32 v5, $0x8  }
0x22: {  	v6 =	vshll.u32 v6, $0x3;
	v4 =	vadd.s32 v4, v5  }
0x23: {  	v4 =	vadd.s32 v6, v4  }
0x24: {  	[tilespmem:s0+$0x180] =	vst v4  }
0x25: {  	v4 =	vld [tilespmem:$0x180];
	_ =	sdelay $0x4  }
0x26: {  	v5 =	vshll.u32 v4, $0x1  }
0x27: {  	v4 =	vand.u32 $0x7, v4;
	v5 =	vand.u32 $0xFFFFFFF0, v5  }
0x28: {  	v4 =	vor.u32 v4, v5  }
0x29: {  	v5 =	vperm.xlane v4, v1;
	_ =	sdelay $0x1  }
0x2a: {  	v4 =	vperm.xlane v4, v3;
	v5 =	vadd.s32 v2, v5;
	_ =	sdelay $0x1  }
0x2b: {  	v4 =	vadd.s32 v2, v4;
	_ =	sdelay $0x1  }
0x2c: {  	s23 =	simm.s32 $0x0;
	s11 =	simm.s32 $0x300  }
0x2d: {  	[tilespmem:s11], [sflag:$0x2] =	stream.indirect_vreg.gather [hbm4b:s2+s23], $0x80, v5, vm0, $0xb8;
	[tilespmem:$0x12300] =	vst v63  }
0x2e: {  	s12 =	simm.s32 $0xB00  }
0x2f: {  	[tilespmem:s12], [sflag:$0x2] =	stream.indirect_vreg.gather [hbm4b:s2+s23], $0x80, v4, vm0, $0xb8;
	[tilespmem:$0x12300] =	vst v63  }
0x30: {  	v4 =	vld [tilespmem:$0x190];
	_ =	sdelay $0x4  }
0x31: {  	v5 =	vshll.u32 v4, $0x1  }
0x32: {  	v4 =	vand.u32 $0x7, v4;
	v5 =	vand.u32 $0xFFFFFFF0, v5  }
0x33: {  	v4 =	vor.u32 v4, v5  }
0x34: {  	v5 =	vperm.xlane v4, v1;
	_ =	sdelay $0x1  }
0x35: {  	v4 =	vperm.xlane v4, v3;
	v5 =	vadd.s32 v2, v5;
	_ =	sdelay $0x1  }
0x36: {  	v4 =	vadd.s32 v2, v4;
	_ =	sdelay $0x1  }
0x37: {  	s13 =	simm.s32 $0x1300  }
0x38: {  	[tilespmem:s13], [sflag:$0x2] =	stream.indirect_vreg.gather [hbm4b:s2+s23], $0x80, v5, vm0, $0xb8;
	[tilespmem:$0x12300] =	vst v63  }
0x39: {  	s14 =	simm.s32 $0x1B00  }
0x3a: {  	[tilespmem:s14], [sflag:$0x2] =	stream.indirect_vreg.gather [hbm4b:s2+s23], $0x80, v4, vm0, $0xb8;
	[tilespmem:$0x12300] =	vst v63  }
0x3b: {  	v4 =	vld [tilespmem:$0x1A0];
	_ =	sdelay $0x4  }
0x3c: {  	v5 =	vshll.u32 v4, $0x1  }
0x3d: {  	v4 =	vand.u32 $0x7, v4;
	v5 =	vand.u32 $0xFFFFFFF0, v5  }
0x3e: {  	v4 =	vor.u32 v4, v5  }
0x3f: {  	v5 =	vperm.xlane v4, v1;
	_ =	sdelay $0x1  }
0x40: {  	v4 =	vperm.xlane v4, v3;
	v5 =	vadd.s32 v2, v5;
	_ =	sdelay $0x1  }
0x41: {  	v4 =	vadd.s32 v2, v4;
	_ =	sdelay $0x1  }
0x42: {  	s24 =	simm.s32 $0x2300  }
0x43: {  	[tilespmem:s24], [sflag:$0x2] =	stream.indirect_vreg.gather [hbm4b:s2+s23], $0x80, v5, vm0, $0xb8;
	[tilespmem:$0x12300] =	vst v63  }
0x44: {  	s25 =	simm.s32 $0x2B00  }
0x45: {  	[tilespmem:s25], [sflag:$0x2] =	stream.indirect_vreg.gather [hbm4b:s2+s23], $0x80, v4, vm0, $0xb8;
	[tilespmem:$0x12300] =	vst v63  }
0x46: {  	v4 =	vld [tilespmem:$0x1B0];
	_ =	sdelay $0x4  }
0x47: {  	v5 =	vshll.u32 v4, $0x1  }
0x48: {  	v4 =	vand.u32 $0x7, v4;
	v5 =	vand.u32 $0xFFFFFFF0, v5  }
0x49: {  	v4 =	vor.u32 v4, v5  }
0x4a: {  	v5 =	vperm.xlane v4, v1;
	_ =	sdelay $0x1  }
0x4b: {  	v4 =	vperm.xlane v4, v3;
	v5 =	vadd.s32 v2, v5;
	_ =	sdelay $0x1  }
0x4c: {  	v4 =	vadd.s32 v2, v4;
	_ =	sdelay $0x1  }
0x4d: {  	s26 =	simm.s32 $0x3300  }
0x4e: {  	[tilespmem:s26], [sflag:$0x2] =	stream.indirect_vreg.gather [hbm4b:s2+s23], $0x80, v5, vm0, $0xb8;
	[tilespmem:$0x12300] =	vst v63  }
0x4f: {  	s1 =	simm.s32 $0x3B00  }
0x50: {  	[tilespmem:s1], [sflag:$0x2] =	stream.indirect_vreg.gather [hbm4b:s2+s23], $0x80, v4, vm0, $0xb8;
	[tilespmem:$0x12300] =	vst v63  }
0x51: {  	v4 =	vld [tilespmem:$0x1C0];
	_ =	sdelay $0x4  }
0x52: {  	v5 =	vshll.u32 v4, $0x1  }
0x53: {  	v4 =	vand.u32 $0x7, v4;
	v5 =	vand.u32 $0xFFFFFFF0, v5  }
0x54: {  	v4 =	vor.u32 v4, v5  }
0x55: {  	v5 =	vperm.xlane v4, v1;
	_ =	sdelay $0x1  }
0x56: {  	v4 =	vperm.xlane v4, v3;
	v5 =	vadd.s32 v2, v5;
	_ =	sdelay $0x1  }
0x57: {  	v4 =	vadd.s32 v2, v4;
	_ =	sdelay $0x1  }
0x58: {  	s8 =	simm.s32 $0x4300  }
0x59: {  	[tilespmem:s8], [sflag:$0x2] =	stream.indirect_vreg.gather [hbm4b:s2+s23], $0x80, v5, vm0, $0xb8;
	[tilespmem:$0x12300] =	vst v63  }
0x5a: {  	s10 =	simm.s32 $0x4B00  }
0x5b: {  	[tilespmem:s10], [sflag:$0x2] =	stream.indirect_vreg.gather [hbm4b:s2+s23], $0x80, v4, vm0, $0xb8;
	[tilespmem:$0x12300] =	vst v63  }
0x5c: {  	v4 =	vld [tilespmem:$0x1D0];
	_ =	sdelay $0x4  }
0x5d: {  	v5 =	vshll.u32 v4, $0x1  }
0x5e: {  	v4 =	vand.u32 $0x7, v4;
	v5 =	vand.u32 $0xFFFFFFF0, v5  }
0x5f: {  	v4 =	vor.u32 v4, v5  }
0x60: {  	v5 =	vperm.xlane v4, v1;
	_ =	sdelay $0x1  }
0x61: {  	v4 =	vperm.xlane v4, v3;
	v5 =	vadd.s32 v2, v5;
	_ =	sdelay $0x1  }
0x62: {  	v4 =	vadd.s32 v2, v4;
	_ =	sdelay $0x1  }
0x63: {  	s11 =	simm.s32 $0x5300  }
0x64: {  	[tilespmem:s11], [sflag:$0x2] =	stream.indirect_vreg.gather [hbm4b:s2+s23], $0x80, v5, vm0, $0xb8;
	[tilespmem:$0x12300] =	vst v63  }
0x65: {  	s12 =	simm.s32 $0x5B00  }
0x66: {  	[tilespmem:s12], [sflag:$0x2] =	stream.indirect_vreg.gather [hbm4b:s2+s23], $0x80, v4, vm0, $0xb8;
	[tilespmem:$0x12300] =	vst v63  }
0x67: {  	v4 =	vld [tilespmem:$0x1E0];
	_ =	sdelay $0x4  }
0x68: {  	v5 =	vshll.u32 v4, $0x1  }
0x69: {  	v4 =	vand.u32 $0x7, v4;
	v5 =	vand.u32 $0xFFFFFFF0, v5  }
0x6a: {  	v4 =	vor.u32 v4, v5  }
0x6b: {  	v5 =	vperm.xlane v4, v1;
	_ =	sdelay $0x1  }
0x6c: {  	v4 =	vperm.xlane v4, v3;
	v5 =	vadd.s32 v2, v5;
	_ =	sdelay $0x1  }
0x6d: {  	v4 =	vadd.s32 v2, v4;
	_ =	sdelay $0x1  }
0x6e: {  	s13 =	simm.s32 $0x6300  }
0x6f: {  	[tilespmem:s13], [sflag:$0x2] =	stream.indirect_vreg.gather [hbm4b:s2+s23], $0x80, v5, vm0, $0xb8;
	[tilespmem:$0x12300] =	vst v63  }
0x70: {  	s14 =	simm.s32 $0x6B00  }
0x71: {  	[tilespmem:s14], [sflag:$0x2] =	stream.indirect_vreg.gather [hbm4b:s2+s23], $0x80, v4, vm0, $0xb8;
	[tilespmem:$0x12300] =	vst v63  }
0x72: {  	v4 =	vld [tilespmem:$0x1F0];
	_ =	sdelay $0x4  }
0x73: {  	v5 =	vshll.u32 v4, $0x1  }
0x74: {  	v4 =	vand.u32 $0x7, v4;
	v5 =	vand.u32 $0xFFFFFFF0, v5  }
0x75: {  	v4 =	vor.u32 v4, v5  }
0x76: {  	v5 =	vperm.xlane v4, v1;
	_ =	sdelay $0x1  }
0x77: {  	v4 =	vperm.xlane v4, v3;
	v5 =	vadd.s32 v2, v5;
	_ =	sdelay $0x1  }
0x78: {  	v4 =	vadd.s32 v2, v4;
	_ =	sdelay $0x1  }
0x79: {  	s24 =	simm.s32 $0x7300  }
0x7a: {  	[tilespmem:s24], [sflag:$0x2] =	stream.indirect_vreg.gather [hbm4b:s2+s23], $0x80, v5, vm0, $0xb8;
	[tilespmem:$0x12300] =	vst v63  }
0x7b: {  	s25 =	simm.s32 $0x7B00  }
0x7c: {  	[tilespmem:s25], [sflag:$0x2] =	stream.indirect_vreg.gather [hbm4b:s2+s23], $0x80, v4, vm0, $0xb8;
	[tilespmem:$0x12300] =	vst v63  }
0x7d: {  	v4 =	vld [tilespmem:$0x200];
	_ =	sdelay $0x4  }
0x7e: {  	v5 =	vshll.u32 v4, $0x1  }
0x7f: {  	v4 =	vand.u32 $0x7, v4;
	v5 =	vand.u32 $0xFFFFFFF0, v5  }
0x80: {  	v4 =	vor.u32 v4, v5  }
0x81: {  	v5 =	vperm.xlane v4, v1;
	_ =	sdelay $0x1  }
0x82: {  	v4 =	vperm.xlane v4, v3;
	v5 =	vadd.s32 v2, v5;
	_ =	sdelay $0x1  }
0x83: {  	v4 =	vadd.s32 v2, v4;
	_ =	sdelay $0x1  }
0x84: {  	s26 =	simm.s32 $0x8300  }
0x85: {  	[tilespmem:s26], [sflag:$0x3] =	stream.indirect_vreg.gather [hbm4b:s2+s23], $0x80, v5, vm0, $0xb8;
	[tilespmem:$0x12300] =	vst v63  }
0x86: {  	s1 =	simm.s32 $0x8B00  }
0x87: {  	[tilespmem:s1], [sflag:$0x3] =	stream.indirect_vreg.gather [hbm4b:s2+s23], $0x80, v4, vm0, $0xb8;
	[tilespmem:$0x12300] =	vst v63  }
0x88: {  	v4 =	vld [tilespmem:$0x210];
	_ =	sdelay $0x4  }
0x89: {  	v5 =	vshll.u32 v4, $0x1  }
0x8a: {  	v4 =	vand.u32 $0x7, v4;
	v5 =	vand.u32 $0xFFFFFFF0, v5  }
0x8b: {  	v4 =	vor.u32 v4, v5  }
0x8c: {  	v5 =	vperm.xlane v4, v1;
	_ =	sdelay $0x1  }
0x8d: {  	v4 =	vperm.xlane v4, v3;
	v5 =	vadd.s32 v2, v5;
	_ =	sdelay $0x1  }
0x8e: {  	v4 =	vadd.s32 v2, v4;
	_ =	sdelay $0x1  }
0x8f: {  	s8 =	simm.s32 $0x9300  }
0x90: {  	[tilespmem:s8], [sflag:$0x3] =	stream.indirect_vreg.gather [hbm4b:s2+s23], $0x80, v5, vm0, $0xb8;
	[tilespmem:$0x12300] =	vst v63  }
0x91: {  	s10 =	simm.s32 $0x9B00  }
0x92: {  	[tilespmem:s10], [sflag:$0x3] =	stream.indirect_vreg.gather [hbm4b:s2+s23], $0x80, v4, vm0, $0xb8;
	[tilespmem:$0x12300] =	vst v63  }
0x93: {  	v4 =	vld [tilespmem:$0x220];
	_ =	sdelay $0x4  }
0x94: {  	v5 =	vshll.u32 v4, $0x1  }
0x95: {  	v4 =	vand.u32 $0x7, v4;
	v5 =	vand.u32 $0xFFFFFFF0, v5  }
0x96: {  	v4 =	vor.u32 v4, v5  }
0x97: {  	v5 =	vperm.xlane v4, v1;
	_ =	sdelay $0x1  }
0x98: {  	v4 =	vperm.xlane v4, v3;
	v5 =	vadd.s32 v2, v5;
	_ =	sdelay $0x1  }
0x99: {  	v4 =	vadd.s32 v2, v4;
	_ =	sdelay $0x1  }
0x9a: {  	s11 =	simm.s32 $0xA300  }
0x9b: {  	[tilespmem:s11], [sflag:$0x3] =	stream.indirect_vreg.gather [hbm4b:s2+s23], $0x80, v5, vm0, $0xb8;
	[tilespmem:$0x12300] =	vst v63  }
0x9c: {  	s12 =	simm.s32 $0xAB00  }
0x9d: {  	[tilespmem:s12], [sflag:$0x3] =	stream.indirect_vreg.gather [hbm4b:s2+s23], $0x80, v4, vm0, $0xb8;
	[tilespmem:$0x12300] =	vst v63  }
0x9e: {  	v4 =	vld [tilespmem:$0x230];
	_ =	sdelay $0x4  }
0x9f: {  	v5 =	vshll.u32 v4, $0x1  }
0xa0: {  	v4 =	vand.u32 $0x7, v4;
	v5 =	vand.u32 $0xFFFFFFF0, v5  }
0xa1: {  	v4 =	vor.u32 v4, v5  }
0xa2: {  	v5 =	vperm.xlane v4, v1;
	_ =	sdelay $0x1  }
0xa3: {  	v4 =	vperm.xlane v4, v3;
	v5 =	vadd.s32 v2, v5;
	_ =	sdelay $0x1  }
0xa4: {  	v4 =	vadd.s32 v2, v4;
	_ =	sdelay $0x1  }
0xa5: {  	s13 =	simm.s32 $0xB300  }
0xa6: {  	[tilespmem:s13], [sflag:$0x3] =	stream.indirect_vreg.gather [hbm4b:s2+s23], $0x80, v5, vm0, $0xb8;
	[tilespmem:$0x12300] =	vst v63  }
0xa7: {  	s14 =	simm.s32 $0xBB00  }
0xa8: {  	[tilespmem:s14], [sflag:$0x3] =	stream.indirect_vreg.gather [hbm4b:s2+s23], $0x80, v4, vm0, $0xb8;
	[tilespmem:$0x12300] =	vst v63  }
0xa9: {  	v4 =	vld [tilespmem:$0x240];
	_ =	sdelay $0x4  }
0xaa: {  	v5 =	vshll.u32 v4, $0x1  }
0xab: {  	v4 =	vand.u32 $0x7, v4;
	v5 =	vand.u32 $0xFFFFFFF0, v5  }
0xac: {  	v4 =	vor.u32 v4, v5  }
0xad: {  	v5 =	vperm.xlane v4, v1;
	_ =	sdelay $0x1  }
0xae: {  	v4 =	vperm.xlane v4, v3;
	v5 =	vadd.s32 v2, v5;
	_ =	sdelay $0x1  }
0xaf: {  	v4 =	vadd.s32 v2, v4;
	_ =	sdelay $0x1  }
0xb0: {  	s24 =	simm.s32 $0xC300  }
0xb1: {  	[tilespmem:s24], [sflag:$0x3] =	stream.indirect_vreg.gather [hbm4b:s2+s23], $0x80, v5, vm0, $0xb8;
	[tilespmem:$0x12300] =	vst v63  }
0xb2: {  	s25 =	simm.s32 $0xCB00  }
0xb3: {  	[tilespmem:s25], [sflag:$0x3] =	stream.indirect_vreg.gather [hbm4b:s2+s23], $0x80, v4, vm0, $0xb8;
	[tilespmem:$0x12300] =	vst v63  }
0xb4: {  	v4 =	vld [tilespmem:$0x250];
	_ =	sdelay $0x4  }
0xb5: {  	v5 =	vshll.u32 v4, $0x1  }
0xb6: {  	v4 =	vand.u32 $0x7, v4;
	v5 =	vand.u32 $0xFFFFFFF0, v5  }
0xb7: {  	v4 =	vor.u32 v4, v5  }
0xb8: {  	v5 =	vperm.xlane v4, v1;
	_ =	sdelay $0x1  }
0xb9: {  	v4 =	vperm.xlane v4, v3;
	v5 =	vadd.s32 v2, v5;
	_ =	sdelay $0x1  }
0xba: {  	v4 =	vadd.s32 v2, v4;
	_ =	sdelay $0x1  }
0xbb: {  	s26 =	simm.s32 $0xD300  }
0xbc: {  	[tilespmem:s26], [sflag:$0x3] =	stream.indirect_vreg.gather [hbm4b:s2+s23], $0x80, v5, vm0, $0xb8;
	[tilespmem:$0x12300] =	vst v63  }
0xbd: {  	s1 =	simm.s32 $0xDB00  }
0xbe: {  	[tilespmem:s1], [sflag:$0x3] =	stream.indirect_vreg.gather [hbm4b:s2+s23], $0x80, v4, vm0, $0xb8;
	[tilespmem:$0x12300] =	vst v63  }
0xbf: {  	v4 =	vld [tilespmem:$0x260];
	_ =	sdelay $0x4  }
0xc0: {  	v5 =	vshll.u32 v4, $0x1  }
0xc1: {  	v4 =	vand.u32 $0x7, v4;
	v5 =	vand.u32 $0xFFFFFFF0, v5  }
0xc2: {  	v4 =	vor.u32 v4, v5  }
0xc3: {  	v5 =	vperm.xlane v4, v1;
	_ =	sdelay $0x1  }
0xc4: {  	v4 =	vperm.xlane v4, v3;
	v5 =	vadd.s32 v2, v5;
	_ =	sdelay $0x1  }
0xc5: {  	v4 =	vadd.s32 v2, v4;
	_ =	sdelay $0x1  }
0xc6: {  	s8 =	simm.s32 $0xE300  }
0xc7: {  	[tilespmem:s8], [sflag:$0x3] =	stream.indirect_vreg.gather [hbm4b:s2+s23], $0x80, v5, vm0, $0xb8;
	[tilespmem:$0x12300] =	vst v63  }
0xc8: {  	_ = 	snop  }
0xc9: {  	[tilespmem:s15], [sflag:$0x3] =	stream.indirect_vreg.gather [hbm4b:s2+s23], $0x80, v4, vm0, $0xb8;
	[tilespmem:$0x12300] =	vst v63  }
0xca: {  	v4 =	vld [tilespmem:$0x270];
	_ =	sdelay $0x4  }
0xcb: {  	v5 =	vshll.u32 v4, $0x1  }
0xcc: {  	v4 =	vand.u32 $0x7, v4;
	v5 =	vand.u32 $0xFFFFFFF0, v5  }
0xcd: {  	v4 =	vor.u32 v4, v5  }
0xce: {  	v5 =	vperm.xlane v4, v1;
	_ =	sdelay $0x1  }
0xcf: {  	v4 =	vperm.xlane v4, v3;
	v5 =	vadd.s32 v2, v5;
	_ =	sdelay $0x1  }
0xd0: {  	v4 =	vadd.s32 v2, v4;
	_ =	sdelay $0x1  }
0xd1: {  	s10 =	simm.s32 $0x0  }
0xd2: {  	[tilespmem:s16], [sflag:$0x3] =	stream.indirect_vreg.gather [hbm4b:s2+s23], $0x80, v5, vm0, $0xb8;
	[tilespmem:$0x12300] =	vst v63  }
0xd3: {  	s0 =	sand.u32 $0x3FFFF800, s10;
	s1 =	sand.u32 $0x400, s23  }
0xd4: {  	[tilespmem:s17], [sflag:$0x3] =	stream.indirect_vreg.gather [hbm4b:s2+s23], $0x80, v4, vm0, $0xb8;
	[tilespmem:$0x12300] =	vst v63  }
0xd5: {  	s0 =	sor.u32 s1, s0;
	s8 =	sand.u32 $0x40, s23;
	_ =	swait.ge [sflag:s18], $0x8000  }
0xd6: {  	s0 =	sor.u32 $0x300, s0;
	s10 =	sor.u32 $0x30, s8;
	[sflag:s18] =	ssyncset.done $0x0  }
0xd7: {  	s11 =	sor.u32 s10, s0;
	[sflag:s18] =	ssyncadd.s32 $0xFFFF8000  }
0xd8: {  	v4 =	vld [tilespmem:s11+$0x0]  }
0xd9: {  	s24 =	sor.u32 s8, s0;
	v5 =	vld [tilespmem:s11+$0x80]  }
0xda: {  	v6 =	vld [tilespmem:s24+$0x0]  }
0xdb: {  	v7 =	vld [tilespmem:s11+$0x100]  }
0xdc: {  	s12 =	sor.u32 $0x10, s8;
	v8 =	vld [tilespmem:s24+$0x80]  }
0xdd: {  	s26 =	sor.u32 s12, s0;
	v9 =	vld [tilespmem:s11+$0x180]  }
0xde: {  	v10 =	vld [tilespmem:s26+$0x0]  }
0xdf: {  	s28 =	sor.u32 $0x20, s8;
	v11 =	vld [tilespmem:s26+$0x80];
	v4 =	vadd.f32 v5, v4  }
0xe0: {  	s25 =	sor.u32 s28, s0;
	v5 =	vld [tilespmem:s11+$0x200]  }
0xe1: {  	v12 =	vld [tilespmem:s25+$0x0];
	v4 =	vadd.f32 v7, v4  }
0xe2: {  	v7 =	vld [tilespmem:s11+$0x280]  }
0xe3: {  	v13 =	vld [tilespmem:s25+$0x80];
	v4 =	vadd.f32 v9, v4  }
0xe4: {  	v9 =	vld [tilespmem:s11+$0x300]  }
0xe5: {  	v14 =	vld [tilespmem:s24+$0x100];
	v4 =	vadd.f32 v5, v4  }
0xe6: {  	v15 =	vld [tilespmem:s26+$0x100]  }
0xe7: {  	s13 =	simm.s32 $0x0;
	v16 =	vld [tilespmem:s25+$0x100];
	s11 =	simm.s32 $0x0;
	v4 =	vadd.f32 v7, v4  }
0xe8: {  	v17 =	vld [tilespmem:s24+$0x180];
	s0 =	sand.u32 $0x800, s11;
	s11 =	sand.u32 $0x380, s13  }
0xe9: {  	v6 =	vadd.f32 v8, v6;
	s0 =	sor.u32 s11, s0;
	v7 =	vadd.f32 v9, v4;
	v4 =	vld [tilespmem:s26+$0x180]  }
0xea: {  	v8 =	vadd.f32 v11, v10;
	v5 =	vld [tilespmem:s25+$0x180];
	s0 =	sor.u32 s1, s0  }
0xeb: {  	v10 =	vadd.f32 v13, v12;
	v11 =	vadd.f32 v14, v6;
	v6 =	vld [tilespmem:s24+$0x200];
	s1 =	sadd.s32 $0x10300, s0;
	v63 =	vmul.f32 $1.428571490e-01, v7  }
0xec: {  	s29 =	simm.s32 $0x0;
	s0 =	sor.u32 s8, s1;
	s14 =	sor.u32 s10, s1;
	v9 =	vadd.f32 v15, v8;
	v7 =	vld [tilespmem:s26+$0x200]  }
0xed: {  	v10 =	vadd.f32 v16, v10;
	v11 =	vadd.f32 v17, v11;
	s30 =	sor.u32 s12, s1;
	s31 =	sor.u32 s28, s1;
	s28 =	simm.s32 $0x0;
	v8 =	vld [tilespmem:s25+$0x200];
	[tilespmem:s14+$0x0] =	vst v63  }
.LBB2_4:
0xee: {  	s28 =	sadd.s32 $0x4, s28;
	v12 =	vld [tilespmem:s24+$0x280];
	v4 =	vadd.f32 v4, v9  }
0xef: {  	s23 =	sadd.s32 $0x200, s23;
	s1 =	sshll.u32 s28, $0x7;
	p0 =	slt.u32 s28, $0xFC;
	v9 =	vld [tilespmem:s26+$0x280];
	v5 =	vadd.f32 v5, v10  }
0xf0: {  	s29 =	sadd.s32 $0x40, s29;
	s8 =	sand.u32 $0x400, s23;
	s10 =	sand.u32 $0x3FFFF800, s1;
	v6 =	vadd.f32 v6, v11;
	v10 =	vld [tilespmem:s25+$0x280]  }
0xf1: {  	s1 =	sand.u32 $0x40, s29;
	s10 =	sor.u32 s8, s10;
	v11 =	vld [tilespmem:s24+$0x300];
	v4 =	vadd.f32 v7, v4  }
0xf2: {  	s11 =	sor.u32 $0x30, s1;
	s13 =	sor.u32 $0x300, s10;
	s10 =	sor.u32 $0x10, s1;
	v7 =	vld [tilespmem:s26+$0x300];
	v5 =	vadd.f32 v8, v5  }
0xf3: {  	s12 =	sor.u32 $0x20, s1;
	s24 =	sor.u32 s1, s13;
	s14 =	sor.u32 s11, s13;
	v6 =	vadd.f32 v12, v6;
	v8 =	vld [tilespmem:s25+$0x300]  }
0xf4: {  	s26 =	sor.u32 s10, s13;
	s25 =	sor.u32 s12, s13;
	v12 =	vld [tilespmem:s14+$0x0];
	v4 =	vadd.f32 v9, v4  }
0xf5: {  	v9 =	vld [tilespmem:s14+$0x80];
	v5 =	vadd.f32 v10, v5  }
0xf6: {  	v10 =	vld [tilespmem:s24+$0x0];
	v6 =	vadd.f32 v11, v6  }
0xf7: {  	v11 =	vld [tilespmem:s14+$0x100];
	v4 =	vadd.f32 v7, v4  }
0xf8: {  	v7 =	vld [tilespmem:s24+$0x80];
	v6 =	vmul.f32 $1.428571490e-01, v6;
	v5 =	vadd.f32 v8, v5  }
0xf9: {  	v8 =	vld [tilespmem:s14+$0x180];
	v4 =	vmul.f32 $1.428571490e-01, v4  }
0xfa: {  	v13 =	vld [tilespmem:s26+$0x0];
	v9 =	vadd.f32 v9, v12;
	[tilespmem:s0+$0x0] =	vst v6;
	v5 =	vmul.f32 $1.428571490e-01, v5  }
0xfb: {  	v6 =	vld [tilespmem:s14+$0x200];
	[tilespmem:s30+$0x0] =	vst v4  }
0xfc: {  	v4 =	vld [tilespmem:s26+$0x80];
	v9 =	vadd.f32 v11, v9;
	[tilespmem:s31+$0x0] =	vst v5  }
0xfd: {  	v5 =	vadd.f32 v7, v10;
	v7 =	vld [tilespmem:s14+$0x280]  }
0xfe: {  	v10 =	vld [tilespmem:s25+$0x0];
	v8 =	vadd.f32 v8, v9  }
0xff: {  	v9 =	vld [tilespmem:s14+$0x300]  }
0x100: {  	v11 =	vld [tilespmem:s25+$0x80];
	v6 =	vadd.f32 v6, v8  }
0x101: {  	v8 =	vld [tilespmem:s24+$0x100];
	v12 =	vadd.f32 v4, v13  }
0x102: {  	s13 =	sshll.u32 s28, $0x3;
	s0 =	sshll.u32 s28, $0x4;
	v13 =	vld [tilespmem:s26+$0x100];
	v4 =	vadd.f32 v7, v6  }
0x103: {  	s13 =	sand.u32 $0x380, s13;
	s0 =	sand.u32 $0x800, s0;
	v14 =	vld [tilespmem:s25+$0x100]  }
0x104: {  	s0 =	sor.u32 s13, s0;
	v15 =	vld [tilespmem:s24+$0x180];
	v6 =	vadd.f32 v9, v4  }
.Ltmp1:
0x105: {  	s0 =	sor.u32 s8, s0;
	v4 =	vld [tilespmem:s26+$0x180];
	v10 =	vadd.f32 v11, v10;
	(pc) =	sbr.rel @p0 .LBB2_4-.Ltmp1, $4  }
0x106: {  	s8 =	sadd.s32 $0x10300, s0;
	v8 =	vadd.f32 v8, v5;
	v5 =	vld [tilespmem:s25+$0x180];
	v11 =	vmul.f32 $1.428571490e-01, v6  }
0x107: {  	s0 =	sor.u32 s1, s8;
	s30 =	sor.u32 s10, s8;
	s1 =	sor.u32 s11, s8;
	v6 =	vld [tilespmem:s24+$0x200];
	v9 =	vadd.f32 v13, v12  }
0x108: {  	s31 =	sor.u32 s12, s8;
	v7 =	vld [tilespmem:s26+$0x200];
	v10 =	vadd.f32 v14, v10;
	[tilespmem:s1+$0x0] =	vst v11  }
0x109: {  	v11 =	vadd.f32 v15, v8;
	v8 =	vld [tilespmem:s25+$0x200]  }
0x10a: {  	v12 =	vld [tilespmem:s24+$0x280]  }
0x10b: {  	v13 =	vld [tilespmem:s26+$0x280]  }
0x10c: {  	v14 =	vld [tilespmem:s25+$0x280]  }
0x10d: {  	v4 =	vadd.f32 v4, v9;
	v9 =	vld [tilespmem:s24+$0x300]  }
0x10e: {  	v5 =	vadd.f32 v5, v10;
	v10 =	vld [tilespmem:s26+$0x300];
	v6 =	vadd.f32 v6, v11  }
0x10f: {  	v4 =	vadd.f32 v7, v4;
	v7 =	vld [tilespmem:s25+$0x300]  }
0x110: {  	v5 =	vadd.f32 v8, v5;
	v6 =	vadd.f32 v12, v6  }
0x111: {  	v4 =	vadd.f32 v13, v4  }
0x112: {  	v5 =	vadd.f32 v14, v5;
	v6 =	vadd.f32 v9, v6  }
0x113: {  	v4 =	vadd.f32 v10, v4  }
0x114: {  	v5 =	vadd.f32 v7, v5;
	v6 =	vmul.f32 $1.428571490e-01, v6  }
0x115: {  	v4 =	vmul.f32 $1.428571490e-01, v4  }
0x116: {  	v5 =	vmul.f32 $1.428571490e-01, v5;
	[tilespmem:s0+$0x0] =	vst v6  }
0x117: {  	s23 =	simm.s32 $0x8000;
	s10 =	simm.s32 $0x8000;
	[tilespmem:s30+$0x0] =	vst v4  }
0x118: {  	s24 =	simm.s32 $0x1000;
	s1 =	sand.u32 $0x400, s23;
	s0 =	sand.u32 $0x3FFFF800, s10;
	[tilespmem:s31+$0x0] =	vst v5  }
0x119: {  	s8 =	sand.u32 $0x40, s24;
	s0 =	sor.u32 s1, s0;
	_ =	swait.ge [sflag:s19], $0x8000  }
0x11a: {  	s10 =	sor.u32 $0x30, s8;
	s0 =	sor.u32 $0x300, s0;
	[sflag:s19] =	ssyncset.done $0x0  }
0x11b: {  	s11 =	sor.u32 s10, s0;
	[sflag:s19] =	ssyncadd.s32 $0xFFFF8000  }
0x11c: {  	v4 =	vld [tilespmem:s11+$0x0]  }
0x11d: {  	s25 =	sor.u32 s8, s0;
	v5 =	vld [tilespmem:s11+$0x80]  }
0x11e: {  	v6 =	vld [tilespmem:s25+$0x0]  }
0x11f: {  	v7 =	vld [tilespmem:s11+$0x100]  }
0x120: {  	s12 =	sor.u32 $0x10, s8;
	v8 =	vld [tilespmem:s25+$0x80]  }
0x121: {  	s28 =	sor.u32 s12, s0;
	v9 =	vld [tilespmem:s11+$0x180]  }
0x122: {  	v10 =	vld [tilespmem:s28+$0x0]  }
0x123: {  	s13 =	sor.u32 $0x20, s8;
	v11 =	vld [tilespmem:s28+$0x80];
	v4 =	vadd.f32 v5, v4  }
0x124: {  	s26 =	sor.u32 s13, s0;
	v5 =	vld [tilespmem:s11+$0x200]  }
0x125: {  	v60 =	vld [tilespmem:s26+$0x0];
	v4 =	vadd.f32 v7, v4  }
0x126: {  	v7 =	vld [tilespmem:s11+$0x280]  }
0x127: {  	v61 =	vld [tilespmem:s26+$0x80];
	v4 =	vadd.f32 v9, v4  }
0x128: {  	v9 =	vld [tilespmem:s11+$0x300]  }
0x129: {  	v62 =	vld [tilespmem:s25+$0x100];
	v4 =	vadd.f32 v5, v4  }
0x12a: {  	v15 =	vld [tilespmem:s28+$0x100]  }
0x12b: {  	s14 =	simm.s32 $0x800;
	v16 =	vld [tilespmem:s26+$0x100];
	s11 =	simm.s32 $0x1000;
	v4 =	vadd.f32 v7, v4  }
0x12c: {  	v17 =	vld [tilespmem:s25+$0x180];
	s0 =	sand.u32 $0x1800, s11;
	s11 =	sand.u32 $0x380, s14  }
0x12d: {  	v6 =	vadd.f32 v8, v6;
	s0 =	sor.u32 s11, s0;
	v7 =	vadd.f32 v9, v4;
	v4 =	vld [tilespmem:s28+$0x180]  }
0x12e: {  	v8 =	vadd.f32 v11, v10;
	v5 =	vld [tilespmem:s26+$0x180];
	s0 =	sor.u32 s1, s0  }
0x12f: {  	v10 =	vadd.f32 v61, v60;
	v11 =	vadd.f32 v62, v6;
	v6 =	vld [tilespmem:s25+$0x200];
	s1 =	sadd.s32 $0x10300, s0;
	v63 =	vmul.f32 $1.428571490e-01, v7  }
0x130: {  	s29 =	simm.s32 $0x100;
	s10 =	sor.u32 s10, s1;
	v9 =	vadd.f32 v15, v8;
	v7 =	vld [tilespmem:s28+$0x200]  }
0x131: {  	v10 =	vadd.f32 v16, v10;
	v11 =	vadd.f32 v17, v11;
	s31 =	sor.u32 s8, s1;
	s0 =	sor.u32 s12, s1;
	s30 =	sor.u32 s13, s1;
	v8 =	vld [tilespmem:s26+$0x200];
	[tilespmem:s10+$0x0] =	vst v63  }
.LBB2_6:
0x132: {  	s29 =	sadd.s32 $0x4, s29;
	v12 =	vld [tilespmem:s25+$0x280];
	v4 =	vadd.f32 v4, v9  }
0x133: {  	s23 =	sadd.s32 $0x200, s23;
	s1 =	sshll.u32 s29, $0x7;
	p0 =	slt.u32 s29, $0x1FC;
	v9 =	vld [tilespmem:s28+$0x280];
	v5 =	vadd.f32 v5, v10  }
0x134: {  	s24 =	sadd.s32 $0x40, s24;
	s8 =	sand.u32 $0x400, s23;
	s10 =	sand.u32 $0x3FFFF800, s1;
	v6 =	vadd.f32 v6, v11;
	v10 =	vld [tilespmem:s26+$0x280]  }
0x135: {  	s1 =	sand.u32 $0x40, s24;
	s10 =	sor.u32 s8, s10;
	v11 =	vld [tilespmem:s25+$0x300];
	v4 =	vadd.f32 v7, v4  }
0x136: {  	s11 =	sor.u32 $0x30, s1;
	s13 =	sor.u32 $0x300, s10;
	s10 =	sor.u32 $0x10, s1;
	v7 =	vld [tilespmem:s28+$0x300];
	v5 =	vadd.f32 v8, v5  }
0x137: {  	s12 =	sor.u32 $0x20, s1;
	s25 =	sor.u32 s1, s13;
	s14 =	sor.u32 s11, s13;
	v6 =	vadd.f32 v12, v6;
	v8 =	vld [tilespmem:s26+$0x300]  }
0x138: {  	s28 =	sor.u32 s10, s13;
	s26 =	sor.u32 s12, s13;
	v12 =	vld [tilespmem:s14+$0x0];
	v4 =	vadd.f32 v9, v4  }
0x139: {  	v9 =	vld [tilespmem:s14+$0x80];
	v5 =	vadd.f32 v10, v5  }
0x13a: {  	v10 =	vld [tilespmem:s25+$0x0];
	v6 =	vadd.f32 v11, v6  }
0x13b: {  	v11 =	vld [tilespmem:s14+$0x100];
	v4 =	vadd.f32 v7, v4  }
0x13c: {  	v7 =	vld [tilespmem:s25+$0x80];
	v6 =	vmul.f32 $1.428571490e-01, v6;
	v5 =	vadd.f32 v8, v5  }
0x13d: {  	v8 =	vld [tilespmem:s14+$0x180];
	v4 =	vmul.f32 $1.428571490e-01, v4  }
0x13e: {  	v13 =	vld [tilespmem:s28+$0x0];
	v9 =	vadd.f32 v9, v12;
	[tilespmem:s31+$0x0] =	vst v6;
	v5 =	vmul.f32 $1.428571490e-01, v5  }
0x13f: {  	v6 =	vld [tilespmem:s14+$0x200];
	[tilespmem:s0+$0x0] =	vst v4  }
0x140: {  	v4 =	vld [tilespmem:s28+$0x80];
	v9 =	vadd.f32 v11, v9;
	[tilespmem:s30+$0x0] =	vst v5  }
0x141: {  	v5 =	vadd.f32 v7, v10;
	v7 =	vld [tilespmem:s14+$0x280]  }
0x142: {  	v10 =	vld [tilespmem:s26+$0x0];
	v8 =	vadd.f32 v8, v9  }
0x143: {  	v9 =	vld [tilespmem:s14+$0x300]  }
0x144: {  	v11 =	vld [tilespmem:s26+$0x80];
	v6 =	vadd.f32 v6, v8  }
0x145: {  	v8 =	vld [tilespmem:s25+$0x100];
	v12 =	vadd.f32 v4, v13  }
0x146: {  	s13 =	sshll.u32 s29, $0x3;
	s0 =	sshll.u32 s29, $0x4;
	v13 =	vld [tilespmem:s28+$0x100];
	v4 =	vadd.f32 v7, v6  }
0x147: {  	s13 =	sand.u32 $0x380, s13;
	s0 =	sand.u32 $0x1800, s0;
	v14 =	vld [tilespmem:s26+$0x100]  }
0x148: {  	s0 =	sor.u32 s13, s0;
	v15 =	vld [tilespmem:s25+$0x180];
	v6 =	vadd.f32 v9, v4  }
.Ltmp2:
0x149: {  	s0 =	sor.u32 s8, s0;
	v4 =	vld [tilespmem:s28+$0x180];
	v10 =	vadd.f32 v11, v10;
	(pc) =	sbr.rel @p0 .LBB2_6-.Ltmp2, $4  }
0x14a: {  	s8 =	sadd.s32 $0x10300, s0;
	v8 =	vadd.f32 v8, v5;
	v5 =	vld [tilespmem:s26+$0x180];
	v11 =	vmul.f32 $1.428571490e-01, v6  }
0x14b: {  	s31 =	sor.u32 s1, s8;
	s0 =	sor.u32 s10, s8;
	s1 =	sor.u32 s11, s8;
	v6 =	vld [tilespmem:s25+$0x200];
	v9 =	vadd.f32 v13, v12  }
0x14c: {  	s30 =	sor.u32 s12, s8;
	v7 =	vld [tilespmem:s28+$0x200];
	v10 =	vadd.f32 v14, v10;
	[tilespmem:s1+$0x0] =	vst v11  }
0x14d: {  	v11 =	vadd.f32 v15, v8;
	v8 =	vld [tilespmem:s26+$0x200]  }
0x14e: {  	v12 =	vld [tilespmem:s25+$0x280]  }
0x14f: {  	v13 =	vld [tilespmem:s28+$0x280]  }
0x150: {  	v14 =	vld [tilespmem:s26+$0x280]  }
0x151: {  	v4 =	vadd.f32 v4, v9;
	v61 =	vld [tilespmem:s25+$0x300]  }
0x152: {  	v62 =	vld [tilespmem:s28+$0x300];
	v5 =	vadd.f32 v5, v10;
	v6 =	vadd.f32 v6, v11  }
0x153: {  	v63 =	vld [tilespmem:s26+$0x300];
	v4 =	vadd.f32 v7, v4  }
0x154: {  	v5 =	vadd.f32 v8, v5;
	v6 =	vadd.f32 v12, v6  }
0x155: {  	v4 =	vadd.f32 v13, v4  }
0x156: {  	v5 =	vadd.f32 v14, v5;
	v6 =	vadd.f32 v61, v6  }
0x157: {  	v4 =	vadd.f32 v62, v4  }
0x158: {  	v5 =	vadd.f32 v63, v5;
	v6 =	vmul.f32 $1.428571490e-01, v6  }
0x159: {  	v4 =	vmul.f32 $1.428571490e-01, v4  }
0x15a: {  	s22 =	sadd.s32 $0x1, s22;
	v5 =	vmul.f32 $1.428571490e-01, v5;
	[tilespmem:s31+$0x0] =	vst v6  }
0x15b: {  	p0 =	sne.s32 s22, s7;
	[tilespmem:s0+$0x0] =	vst v4  }
.Ltmp3:
0x15c: {  	[tilespmem:s30+$0x0] =	vst v5;
	(pc) =	sbr.rel @p0 .LBB2_1-.Ltmp3, $4  }
0x15d: {  	[hbm4b:s6+s3] =	stream.linear.scatter [tilespmem:s20], [sflag:$0x4], $0x2000, $0x38;
	[tilespmem:$0x12300] =	vst v63  }
0x15e: {  	_ =	swait.ge [sflag:s21], $0x2000  }
0x15f: {  	[sflag:s21] =	ssyncset.done $0x0  }
0x160: {  	[sflag:s21] =	ssyncadd.s32 $0xFFFFE000  }
0x161: {  	_ =	sfence.sel $0x180000  }
0x162: {  	[bflag:$0x0] =	sbarrier.arrive $0xFFFF  }
0x163: {  	_ =	strace $0x90000047  }
0x164: {  	s0 =	stileid.u32;
	[bflag:$0x2] =	sbarrier.arrive $0xFFFF  }
0x165: {  	p0 =	sne.s32 s0, $0x0;
	s0 =	rddreg [dreg:$0x2]  }
0x166: {  	s0 =	sadd.s32 @!p0 $0x100000, s0  }
0x167: {  	[sflag:s0] =	ssyncadd.tile.s32 @!p0 $0x1;
	_ =	shalt  }
.Lfunc_end2:
_tile_overlayer_lowered:
.L_overlay_start_2:
0x168: {  	(tag) =	ssettag $0x2  }
0x169: {  	s0 =	rddreg [dreg:$0x0];
	s2 =	stileid.u32  }
0x16a: {  	s1 =	rddreg [dreg:$0x1];
	p0 =	sne.s32 s2, $0x0  }
0x16b: {  	s3 =	rddreg [dreg:$0x2];
	[bflag:$0x3] =	sbarrier.arrive $0xFFFF;
	s2 =	simm.s32 @!p0 $0x1C04  }
0x16c: {  	[timem:s3], [sflag:s2] =	dma.local @!p0 [hbm:s0], s1  }
0x16d: {  	s0 =	simm.s32 @!p0 $0x4  }
0x16e: {  	_ =	swait.ge @!p0 [sflag:s0], s1  }
0x16f: {  	s1 =	ssub.s32 @!p0 $0x0, s1;
	[sflag:s0] =	ssyncset.done @!p0 $0x0  }
0x170: {  	[sflag:s0] =	ssyncadd.s32 @!p0 s1  }
0x171: {  	[bflag:$0x3] =	sbarrier.arrive $0xFFFF  }
0x172: {  	_ =	shalt  }

</sc_bundles>
